<compile_context>
chip_gen: v7x
topology: tpu7x:2x2x1
jax: 0.10.2.dev20260603
libtpu: 0.0.44.dev20260713+nightly
codegen_flags: <defaults>
</compile_context>

<pallas_src>
import functools

import jax
import jax.numpy as jnp
from jax import lax
from jax.experimental import pallas as pl
from jax.experimental.pallas import tpu as pltpu
from jax.experimental.pallas import tpu_sc as plsc

NC = 2
NS = 16
NW = NC * NS
CHUNK = 128
N_PAD = 10240


def _sc_mesh():
    return plsc.VectorSubcoreMesh(core_axis_name="c", subcore_axis_name="s")


def _deg_partials(dst3, ones_rows, zslab):
    nchunks = dst3.shape[1]
    W = ones_rows.shape[1]
    rp = N_PAD // NS

    @functools.partial(
        pl.kernel,
        out_type=jax.ShapeDtypeStruct((NC, N_PAD, W), jnp.float32),
        mesh=_sc_mesh(),
        scratch_types=[
            pltpu.VMEM((nchunks, CHUNK), jnp.int32),
            pltpu.VMEM((CHUNK, W), jnp.float32),
            pltpu.VMEM_SHARED((N_PAD, W), jnp.float32),
        ],
    )
    def k(dst_hbm, ones_hbm, z_hbm, out_hbm, dst_v, ones_v, acc):
        c = lax.axis_index("c")
        s = lax.axis_index("s")
        w = c * NS + s
        pltpu.sync_copy(z_hbm, acc.at[pl.ds(s * rp, rp)])
        pltpu.sync_copy(dst_hbm.at[w], dst_v)
        pltpu.sync_copy(ones_hbm, ones_v)
        plsc.subcore_barrier()

        def body(j, carry):
            pltpu.sync_copy(ones_v, acc.at[dst_v.at[j]], add=True)
            return carry

        lax.fori_loop(0, nchunks, body, 0)
        plsc.subcore_barrier()
        pltpu.sync_copy(acc.at[pl.ds(s * rp, rp)],
                        out_hbm.at[c, pl.ds(s * rp, rp), :])

    return k(dst3, ones_rows, zslab)


def _agg_partials(zs, src3, dst3, zslab):
    nchunks = src3.shape[1]
    C = zs.shape[1]
    rp = N_PAD // NS
    nph = 2
    hc = nchunks // nph

    @functools.partial(
        pl.kernel,
        out_type=jax.ShapeDtypeStruct((NC, N_PAD, C), jnp.float32),
        mesh=_sc_mesh(),
        scratch_types=[
            pltpu.VMEM((hc, CHUNK), jnp.int32),
            pltpu.VMEM((hc, CHUNK), jnp.int32),
            pltpu.VMEM((CHUNK, C), jnp.float32),
            pltpu.VMEM_SHARED((N_PAD, C), jnp.float32),
        ],
    )
    def k(zs_hbm, src_hbm, dst_hbm, z_hbm, out_hbm,
          src_v, dst_v, rows_a, acc):
        c = lax.axis_index("c")
        s = lax.axis_index("s")
        w = c * NS + s
        pltpu.sync_copy(z_hbm, acc.at[pl.ds(s * rp, rp)])
        plsc.subcore_barrier()

        def phase(p, carry):
            pltpu.sync_copy(src_hbm.at[w, pl.ds(p * hc, hc)], src_v)
            pltpu.sync_copy(dst_hbm.at[w, pl.ds(p * hc, hc)], dst_v)

            def body(j, carry2):
                pltpu.sync_copy(zs_hbm.at[src_v.at[j]], rows_a)
                pltpu.sync_copy(rows_a, acc.at[dst_v.at[j]], add=True)
                return carry2

            lax.fori_loop(0, hc, body, 0)
            return carry

        lax.fori_loop(0, nph, phase, 0)
        plsc.subcore_barrier()
        pltpu.sync_copy(acc.at[pl.ds(s * rp, rp)],
                        out_hbm.at[c, pl.ds(s * rp, rp), :])

    return k(zs, src3, dst3, zslab)


def _dis_block(degp):
    d = degp[0][:, 0:1] + degp[1][:, 0:1] + 1.0
    return lax.rsqrt(d)


def _tc_in_scale(x_pad, W, degp, bm=1024):
    M, K = x_pad.shape
    Cout = W.shape[1]

    def body(x_ref, w_ref, degp_ref, o_ref):
        dis = _dis_block(degp_ref)
        z = jnp.dot(x_ref[...], w_ref[...], preferred_element_type=jnp.float32)
        o_ref[...] = z * dis

    return pl.pallas_call(
        body,
        grid=(M // bm,),
        in_specs=[
            pl.BlockSpec((bm, K), lambda i: (i, 0)),
            pl.BlockSpec((K, Cout), lambda i: (0, 0)),
            pl.BlockSpec((2, bm, degp.shape[2]), lambda i: (0, i, 0)),
        ],
        out_specs=pl.BlockSpec((bm, Cout), lambda i: (i, 0)),
        out_shape=jax.ShapeDtypeStruct((M, Cout), jnp.float32),
    )(x_pad, W, degp)


def _tc_mid(part, z1s, degp, b1r, Wcat, bm=1024):
    M, C = z1s.shape

    def body(p_ref, z_ref, degp_ref, b_ref, w_ref, o_ref):
        dis = _dis_block(degp_ref)
        pre = (p_ref[0] + p_ref[1] + z_ref[...]) * dis + b_ref[...]
        h = jnp.maximum(pre, 0.0)
        o_ref[...] = jnp.dot(h, w_ref[...],
                             preferred_element_type=jnp.float32) * dis

    return pl.pallas_call(
        body,
        grid=(M // bm,),
        in_specs=[
            pl.BlockSpec((2, bm, C), lambda i: (0, i, 0)),
            pl.BlockSpec((bm, C), lambda i: (i, 0)),
            pl.BlockSpec((2, bm, degp.shape[2]), lambda i: (0, i, 0)),
            pl.BlockSpec((1, C), lambda i: (0, 0)),
            pl.BlockSpec((C, C), lambda i: (0, 0)),
        ],
        out_specs=pl.BlockSpec((bm, C), lambda i: (i, 0)),
        out_shape=jax.ShapeDtypeStruct((M, C), jnp.float32),
    )(part, z1s, degp, b1r, Wcat)


def _tc_out(part, z2s, degp, bcat, bm=1024):
    M, C = z2s.shape

    def body(p_ref, z_ref, degp_ref, b_ref, o_ref):
        dis = _dis_block(degp_ref)
        o_ref[...] = (p_ref[0] + p_ref[1] + z_ref[...]) * dis + b_ref[...]

    return pl.pallas_call(
        body,
        grid=(M // bm,),
        in_specs=[
            pl.BlockSpec((2, bm, C), lambda i: (0, i, 0)),
            pl.BlockSpec((bm, C), lambda i: (i, 0)),
            pl.BlockSpec((2, bm, degp.shape[2]), lambda i: (0, i, 0)),
            pl.BlockSpec((1, C), lambda i: (0, 0)),
        ],
        out_specs=pl.BlockSpec((bm, C), lambda i: (i, 0)),
        out_shape=jax.ShapeDtypeStruct((M, C), jnp.float32),
    )(part, z2s, degp, bcat)


def kernel(x, edge_index, W1, b1, Wmu, bmu, Wls, bls):
    n, cin = x.shape
    e = edge_index.shape[1]
    src = edge_index[0].astype(jnp.int32)
    dst = edge_index[1].astype(jnp.int32)
    nchunks = -(-e // (NW * CHUNK))
    nchunks = -(-nchunks // 4) * 4
    e_pad = NW * nchunks * CHUNK
    src3 = jnp.concatenate(
        [src, jnp.zeros((e_pad - e,), jnp.int32)]).reshape(NW, nchunks, CHUNK)
    dst3 = jnp.concatenate(
        [dst, jnp.full((e_pad - e,), n, jnp.int32)]).reshape(NW, nchunks, CHUNK)
    x_pad = jnp.pad(x, ((0, N_PAD - n), (0, 0)))
    ones_rows = jnp.ones((CHUNK, cin), jnp.float32)
    zC = jnp.zeros((N_PAD // NS, cin), jnp.float32)
    Wcat = jnp.concatenate([Wmu, Wls], axis=1)
    bcat = jnp.concatenate([bmu, bls]).reshape(1, -1)
    b1r = b1.reshape(1, -1)

    degp = _deg_partials(dst3, ones_rows, zC)
    z1s = _tc_in_scale(x_pad, W1, degp)
    p1 = _agg_partials(z1s, src3, dst3, zC)
    z2s = _tc_mid(p1, z1s, degp, b1r, Wcat)
    p2 = _agg_partials(z2s, src3, dst3, zC)
    out = _tc_out(p2, z2s, degp, bcat)
    ncut = Wcat.shape[1] // 2
    return (out[:n, :ncut], out[:n, ncut:])

# --- scband reference (transcript-rebuilt; emitter-appended) ---
"""Pipeline reference for scband-vgaemodel-87978110091561 (READ-ONLY COPY).

The authoritative reference and input builder live on the scoring server;
editing this copy changes nothing except your own understanding.
"""

import jax, jax.numpy as jnp
import numpy as np

N = 10000
E = 320000
IN_CH = 128
OUT_CH = 64
HID = 2 * OUT_CH


def gcn_conv(x, edge_index, W, b):
    # PyG-style GCNConv: add self-loops, symmetric normalization, scatter-add aggregation
    n = x.shape[0]
    src = edge_index[0]
    dst = edge_index[1]
    loop = jnp.arange(n, dtype=src.dtype)
    src_f = jnp.concatenate([src, loop])
    dst_f = jnp.concatenate([dst, loop])
    deg = jnp.zeros((n,), x.dtype).at[dst_f].add(1.0)
    deg_inv_sqrt = jnp.where(deg > 0, jax.lax.rsqrt(jnp.maximum(deg, 1e-12)), 0.0)
    norm = deg_inv_sqrt[src_f] * deg_inv_sqrt[dst_f]
    h = x @ W
    msg = h[src_f] * norm[:, None]
    out = jnp.zeros((n, W.shape[1]), x.dtype).at[dst_f].add(msg)
    return out + b


def setup_inputs(seed: int = 0) -> dict:
    key = jax.random.key(seed)
    ks = jax.random.split(key, 8)
    x = jax.random.normal(ks[0], (N, IN_CH), dtype=jnp.float32)
    edge_index = jax.random.randint(ks[1], (2, E), 0, N)
    s1 = (2.0 / (IN_CH + HID)) ** 0.5
    s2 = (2.0 / (HID + OUT_CH)) ** 0.5
    W1 = jax.random.normal(ks[2], (IN_CH, HID), dtype=jnp.float32) * s1
    b1 = jnp.zeros((HID,), dtype=jnp.float32)
    Wmu = jax.random.normal(ks[3], (HID, OUT_CH), dtype=jnp.float32) * s2
    bmu = jnp.zeros((OUT_CH,), dtype=jnp.float32)
    Wls = jax.random.normal(ks[4], (HID, OUT_CH), dtype=jnp.float32) * s2
    bls = jnp.zeros((OUT_CH,), dtype=jnp.float32)
    return {"x": x, "edge_index": edge_index, "W1": W1, "b1": b1, "Wmu": Wmu, "bmu": bmu, "Wls": Wls, "bls": bls}


def reference(x, edge_index, W1, b1, Wmu, bmu, Wls, bls):
    h = jax.nn.relu(gcn_conv(x, edge_index, W1, b1))
    mu = gcn_conv(h, edge_index, Wmu, bmu)
    logstd = gcn_conv(h, edge_index, Wls, bls)
    return (mu, logstd)

if __name__ == "__main__":
    import jax
    _d = setup_inputs()
    print(jax.jit(kernel)(*tuple(_d.values())))

</pallas_src>

<mosaic_0001>
#map = affine_map<(d0, d1) -> (0, 0, 0)>
#map1 = affine_map<(d0, d1) -> (0, 0)>
module attributes {stable_mosaic.version = 14 : i64} {
  func.func @k(%arg0: i32, %arg1: i32, %arg2: memref<32x80x128xi32, #tpu.memory_space<hbm>>, %arg3: memref<128x128xf32, #tpu.memory_space<hbm>>, %arg4: memref<640x128xf32, #tpu.memory_space<hbm>>, %arg5: memref<2x10240x128xf32, #tpu.memory_space<hbm>>, %arg6: memref<80x128xi32, #tpu.memory_space<vmem>>, %arg7: memref<128x128xf32, #tpu.memory_space<vmem>>, %arg8: memref<10240x128xf32, #tpu.memory_space<vmem_shared>>) attributes {dimension_semantics = [#tpu.dimension_semantics<core_parallel>, #tpu.dimension_semantics<subcore_parallel>], iteration_bounds = array<i64: 2, 16>, scalar_prefetch = 0 : i64, scratch_operands = 3 : i64, tpu.core_type = #tpu.core_type<sc_vector_subcore>, window_params = [{transform_indices = #map}, {transform_indices = #map1}, {transform_indices = #map1}, {transform_indices = #map}]} {
    %mul3A = arith.constant 16 : i32
    %mul3A_0 = arith.muli %arg0, %mul3A : i32
    %add3A = arith.addi %mul3A_0, %arg1 : i32
    %mul3A_1 = arith.constant 640 : i32
    %mul3A_2 = arith.muli %arg1, %mul3A_1 : i32
    "tpu.region"() ({
      %run_scoped3A = tpu.sem_alloc : memref<!tpu.dma_semaphore, #tpu.memory_space<semaphore_mem>>
      %dma_start3A = arith.constant 0 : i32
      %dma_start3A_13 = tpu.memref_slice %arg8[%mul3A_2, %dma_start3A] : memref<10240x128xf32, #tpu.memory_space<vmem_shared>> -> memref<640x128xf32, #tpu.memory_space<vmem_shared>>
      tpu.enqueue_dma source(%arg4 : memref<640x128xf32, #tpu.memory_space<hbm>>) target(%dma_start3A_13 : memref<640x128xf32, #tpu.memory_space<vmem_shared>>) target_semaphore(%run_scoped3A : memref<!tpu.dma_semaphore, #tpu.memory_space<semaphore_mem>>)
      %dma_wait3A = arith.constant 0 : i32
      %dma_wait3A_14 = tpu.memref_slice %arg8[%mul3A_2, %dma_wait3A] : memref<10240x128xf32, #tpu.memory_space<vmem_shared>> -> memref<640x128xf32, #tpu.memory_space<vmem_shared>>
      tpu.wait_dma2 semaphore(%run_scoped3A : memref<!tpu.dma_semaphore, #tpu.memory_space<semaphore_mem>>) src(%arg4 : memref<640x128xf32, #tpu.memory_space<hbm>>) dst(%dma_wait3A_14 : memref<640x128xf32, #tpu.memory_space<vmem_shared>>)
      tpu.yield
    }) : () -> ()
    "tpu.region"() ({
      %run_scoped3A = tpu.sem_alloc : memref<!tpu.dma_semaphore, #tpu.memory_space<semaphore_mem>>
      %dma_start3A = arith.constant 0 : i32
      %dma_start3A_13 = arith.constant 0 : i32
      %dma_start3A_14 = tpu.memref_slice %arg2[%add3A, %dma_start3A, %dma_start3A_13] : memref<32x80x128xi32, #tpu.memory_space<hbm>> -> memref<1x80x128xi32, #tpu.memory_space<hbm>>
      %dma_start3A_15 = tpu.memref_squeeze %dma_start3A_14 : memref<1x80x128xi32, #tpu.memory_space<hbm>> -> memref<80x128xi32, #tpu.memory_space<hbm>>
      %dma_start3A_16 = arith.constant 0 : i32
      %dma_start3A_17 = arith.constant 0 : i32
      %dma_start3A_18 = tpu.memref_slice %arg2[%add3A, %dma_start3A_16, %dma_start3A_17] : memref<32x80x128xi32, #tpu.memory_space<hbm>> -> memref<1x80x128xi32, #tpu.memory_space<hbm>>
      %dma_start3A_19 = tpu.memref_squeeze %dma_start3A_18 : memref<1x80x128xi32, #tpu.memory_space<hbm>> -> memref<80x128xi32, #tpu.memory_space<hbm>>
      tpu.enqueue_dma source(%dma_start3A_19 : memref<80x128xi32, #tpu.memory_space<hbm>>) target(%arg6 : memref<80x128xi32, #tpu.memory_space<vmem>>) target_semaphore(%run_scoped3A : memref<!tpu.dma_semaphore, #tpu.memory_space<semaphore_mem>>)
      %dma_wait3A = arith.constant 0 : i32
      %dma_wait3A_20 = arith.constant 0 : i32
      %dma_wait3A_21 = tpu.memref_slice %arg2[%add3A, %dma_wait3A, %dma_wait3A_20] : memref<32x80x128xi32, #tpu.memory_space<hbm>> -> memref<1x80x128xi32, #tpu.memory_space<hbm>>
      %dma_wait3A_22 = tpu.memref_squeeze %dma_wait3A_21 : memref<1x80x128xi32, #tpu.memory_space<hbm>> -> memref<80x128xi32, #tpu.memory_space<hbm>>
      %dma_wait3A_23 = arith.constant 0 : i32
      %dma_wait3A_24 = arith.constant 0 : i32
      %dma_wait3A_25 = tpu.memref_slice %arg2[%add3A, %dma_wait3A_23, %dma_wait3A_24] : memref<32x80x128xi32, #tpu.memory_space<hbm>> -> memref<1x80x128xi32, #tpu.memory_space<hbm>>
      %dma_wait3A_26 = tpu.memref_squeeze %dma_wait3A_25 : memref<1x80x128xi32, #tpu.memory_space<hbm>> -> memref<80x128xi32, #tpu.memory_space<hbm>>
      tpu.wait_dma2 semaphore(%run_scoped3A : memref<!tpu.dma_semaphore, #tpu.memory_space<semaphore_mem>>) src(%dma_wait3A_26 : memref<80x128xi32, #tpu.memory_space<hbm>>) dst(%arg6 : memref<80x128xi32, #tpu.memory_space<vmem>>)
      tpu.yield
    }) : () -> ()
    "tpu.region"() ({
      %run_scoped3A = tpu.sem_alloc : memref<!tpu.dma_semaphore, #tpu.memory_space<semaphore_mem>>
      tpu.enqueue_dma source(%arg3 : memref<128x128xf32, #tpu.memory_space<hbm>>) target(%arg7 : memref<128x128xf32, #tpu.memory_space<vmem>>) target_semaphore(%run_scoped3A : memref<!tpu.dma_semaphore, #tpu.memory_space<semaphore_mem>>)
      tpu.wait_dma2 semaphore(%run_scoped3A : memref<!tpu.dma_semaphore, #tpu.memory_space<semaphore_mem>>) src(%arg3 : memref<128x128xf32, #tpu.memory_space<hbm>>) dst(%arg7 : memref<128x128xf32, #tpu.memory_space<vmem>>)
      tpu.yield
    }) : () -> ()
    %barrier3A = arith.constant 0 : index
    tpu.barrier barrier_id(%barrier3A)
    %scan3A = arith.constant 0 : i32
    %scan3A_3 = arith.constant 0 : i32
    %scan3A_4 = arith.constant 80 : i32
    %scan3A_5 = arith.addi %scan3A_3, %scan3A_4 : i32
    %scan3A_6 = arith.constant 1 : i32
    scf.for %scan3A_13 = %scan3A_3 to %scan3A_5 step %scan3A_6  : i32 {
      "tpu.region"() ({
        %run_scoped3A = tpu.sem_alloc : memref<!tpu.dma_semaphore, #tpu.memory_space<semaphore_mem>>
        %dma_start3A = arith.constant 0 : i32
        %dma_start3A_14 = tpu.memref_slice %arg6[%scan3A_13, %dma_start3A] : memref<80x128xi32, #tpu.memory_space<vmem>> -> memref<1x128xi32, #tpu.memory_space<vmem>>
        %dma_start3A_15 = tpu.memref_squeeze %dma_start3A_14 : memref<1x128xi32, #tpu.memory_space<vmem>> -> memref<128xi32, #tpu.memory_space<vmem>>
        %dma_start3A_16 = arith.constant 0 : i32
        %dma_start3A_17 = arith.constant 0 : i32
        %dma_start3A_18 = tpu.memref_slice %arg8[%dma_start3A_16, %dma_start3A_17] : memref<10240x128xf32, #tpu.memory_space<vmem_shared>> -> memref<10240x128xf32, #tpu.memory_space<vmem_shared>>
        tpu.enqueue_indirect_dma source(%arg7 : memref<128x128xf32, #tpu.memory_space<vmem>>) target(%dma_start3A_18 : memref<10240x128xf32, #tpu.memory_space<vmem_shared>>) offsets(%dma_start3A_15 : memref<128xi32, #tpu.memory_space<vmem>>) semaphore(%run_scoped3A : memref<!tpu.dma_semaphore, #tpu.memory_space<semaphore_mem>>) {add = true}
        %dma_wait3A = arith.constant 0 : i32
        %dma_wait3A_19 = tpu.memref_slice %arg6[%scan3A_13, %dma_wait3A] : memref<80x128xi32, #tpu.memory_space<vmem>> -> memref<1x128xi32, #tpu.memory_space<vmem>>
        %dma_wait3A_20 = tpu.memref_squeeze %dma_wait3A_19 : memref<1x128xi32, #tpu.memory_space<vmem>> -> memref<128xi32, #tpu.memory_space<vmem>>
        %dma_wait3A_21 = arith.constant 0 : i32
        %dma_wait3A_22 = arith.constant 0 : i32
        %dma_wait3A_23 = tpu.memref_slice %arg8[%dma_wait3A_21, %dma_wait3A_22] : memref<10240x128xf32, #tpu.memory_space<vmem_shared>> -> memref<10240x128xf32, #tpu.memory_space<vmem_shared>>
        tpu.wait_indirect_dma semaphore(%run_scoped3A : memref<!tpu.dma_semaphore, #tpu.memory_space<semaphore_mem>>) src(%arg7 : memref<128x128xf32, #tpu.memory_space<vmem>>) dst(%dma_wait3A_23 : memref<10240x128xf32, #tpu.memory_space<vmem_shared>>)
        tpu.yield
      }) : () -> ()
    }
    %scan3A_7 = arith.constant 80 : i32
    %barrier3A_8 = arith.constant 0 : index
    tpu.barrier barrier_id(%barrier3A_8)
    %mul3A_9 = arith.constant 640 : i32
    %mul3A_10 = arith.muli %arg1, %mul3A_9 : i32
    %mul3A_11 = arith.constant 640 : i32
    %mul3A_12 = arith.muli %arg1, %mul3A_11 : i32
    "tpu.region"() ({
      %run_scoped3A = tpu.sem_alloc : memref<!tpu.dma_semaphore, #tpu.memory_space<semaphore_mem>>
      %dma_start3A = arith.constant 0 : i32
      %dma_start3A_13 = tpu.memref_slice %arg5[%arg0, %mul3A_12, %dma_start3A] : memref<2x10240x128xf32, #tpu.memory_space<hbm>> -> memref<1x640x128xf32, #tpu.memory_space<hbm>>
      %dma_start3A_14 = tpu.memref_squeeze %dma_start3A_13 : memref<1x640x128xf32, #tpu.memory_space<hbm>> -> memref<640x128xf32, #tpu.memory_space<hbm>>
      %dma_start3A_15 = arith.constant 0 : i32
      %dma_start3A_16 = tpu.memref_slice %arg8[%mul3A_10, %dma_start3A_15] : memref<10240x128xf32, #tpu.memory_space<vmem_shared>> -> memref<640x128xf32, #tpu.memory_space<vmem_shared>>
      tpu.enqueue_dma source(%dma_start3A_16 : memref<640x128xf32, #tpu.memory_space<vmem_shared>>) target(%dma_start3A_14 : memref<640x128xf32, #tpu.memory_space<hbm>>) target_semaphore(%run_scoped3A : memref<!tpu.dma_semaphore, #tpu.memory_space<semaphore_mem>>)
      %dma_wait3A = arith.constant 0 : i32
      %dma_wait3A_17 = tpu.memref_slice %arg5[%arg0, %mul3A_12, %dma_wait3A] : memref<2x10240x128xf32, #tpu.memory_space<hbm>> -> memref<1x640x128xf32, #tpu.memory_space<hbm>>
      %dma_wait3A_18 = tpu.memref_squeeze %dma_wait3A_17 : memref<1x640x128xf32, #tpu.memory_space<hbm>> -> memref<640x128xf32, #tpu.memory_space<hbm>>
      %dma_wait3A_19 = arith.constant 0 : i32
      %dma_wait3A_20 = tpu.memref_slice %arg8[%mul3A_10, %dma_wait3A_19] : memref<10240x128xf32, #tpu.memory_space<vmem_shared>> -> memref<640x128xf32, #tpu.memory_space<vmem_shared>>
      tpu.wait_dma2 semaphore(%run_scoped3A : memref<!tpu.dma_semaphore, #tpu.memory_space<semaphore_mem>>) src(%dma_wait3A_20 : memref<640x128xf32, #tpu.memory_space<vmem_shared>>) dst(%dma_wait3A_18 : memref<640x128xf32, #tpu.memory_space<hbm>>)
      tpu.yield
    }) : () -> ()
    return
  }
}

#map = affine_map<(d0, d1) -> (0, 0)>
#map1 = affine_map<(d0, d1) -> (0, 0, 0)>
module attributes {stable_mosaic.version = 14 : i64} {
  func.func @k(%arg0: i32, %arg1: i32, %arg2: memref<10240x128xf32, #tpu.memory_space<hbm>>, %arg3: memref<32x80x128xi32, #tpu.memory_space<hbm>>, %arg4: memref<32x80x128xi32, #tpu.memory_space<hbm>>, %arg5: memref<640x128xf32, #tpu.memory_space<hbm>>, %arg6: memref<2x10240x128xf32, #tpu.memory_space<hbm>>, %arg7: memref<40x128xi32, #tpu.memory_space<vmem>>, %arg8: memref<40x128xi32, #tpu.memory_space<vmem>>, %arg9: memref<128x128xf32, #tpu.memory_space<vmem>>, %arg10: memref<10240x128xf32, #tpu.memory_space<vmem_shared>>) attributes {dimension_semantics = [#tpu.dimension_semantics<core_parallel>, #tpu.dimension_semantics<subcore_parallel>], iteration_bounds = array<i64: 2, 16>, scalar_prefetch = 0 : i64, scratch_operands = 4 : i64, tpu.core_type = #tpu.core_type<sc_vector_subcore>, window_params = [{transform_indices = #map}, {transform_indices = #map1}, {transform_indices = #map1}, {transform_indices = #map}, {transform_indices = #map1}]} {
    %mul3A = arith.constant 16 : i32
    %mul3A_0 = arith.muli %arg0, %mul3A : i32
    %add3A = arith.addi %mul3A_0, %arg1 : i32
    %mul3A_1 = arith.constant 640 : i32
    %mul3A_2 = arith.muli %arg1, %mul3A_1 : i32
    "tpu.region"() ({
      %run_scoped3A = tpu.sem_alloc : memref<!tpu.dma_semaphore, #tpu.memory_space<semaphore_mem>>
      %dma_start3A = arith.constant 0 : i32
      %dma_start3A_13 = tpu.memref_slice %arg10[%mul3A_2, %dma_start3A] : memref<10240x128xf32, #tpu.memory_space<vmem_shared>> -> memref<640x128xf32, #tpu.memory_space<vmem_shared>>
      tpu.enqueue_dma source(%arg5 : memref<640x128xf32, #tpu.memory_space<hbm>>) target(%dma_start3A_13 : memref<640x128xf32, #tpu.memory_space<vmem_shared>>) target_semaphore(%run_scoped3A : memref<!tpu.dma_semaphore, #tpu.memory_space<semaphore_mem>>)
      %dma_wait3A = arith.constant 0 : i32
      %dma_wait3A_14 = tpu.memref_slice %arg10[%mul3A_2, %dma_wait3A] : memref<10240x128xf32, #tpu.memory_space<vmem_shared>> -> memref<640x128xf32, #tpu.memory_space<vmem_shared>>
      tpu.wait_dma2 semaphore(%run_scoped3A : memref<!tpu.dma_semaphore, #tpu.memory_space<semaphore_mem>>) src(%arg5 : memref<640x128xf32, #tpu.memory_space<hbm>>) dst(%dma_wait3A_14 : memref<640x128xf32, #tpu.memory_space<vmem_shared>>)
      tpu.yield
    }) : () -> ()
    %barrier3A = arith.constant 0 : index
    tpu.barrier barrier_id(%barrier3A)
    %scan3A = arith.constant 0 : i32
    %scan3A_3 = arith.constant 0 : i32
    %scan3A_4 = arith.constant 2 : i32
    %scan3A_5 = arith.addi %scan3A_3, %scan3A_4 : i32
    %scan3A_6 = arith.constant 1 : i32
    scf.for %scan3A_13 = %scan3A_3 to %scan3A_5 step %scan3A_6  : i32 {
      %mul3A_14 = arith.constant 40 : i32
      %mul3A_15 = arith.muli %scan3A_13, %mul3A_14 : i32
      "tpu.region"() ({
        %run_scoped3A = tpu.sem_alloc : memref<!tpu.dma_semaphore, #tpu.memory_space<semaphore_mem>>
        %dma_start3A = arith.constant 0 : i32
        %dma_start3A_24 = tpu.memref_slice %arg3[%add3A, %mul3A_15, %dma_start3A] : memref<32x80x128xi32, #tpu.memory_space<hbm>> -> memref<1x40x128xi32, #tpu.memory_space<hbm>>
        %dma_start3A_25 = tpu.memref_squeeze %dma_start3A_24 : memref<1x40x128xi32, #tpu.memory_space<hbm>> -> memref<40x128xi32, #tpu.memory_space<hbm>>
        %dma_start3A_26 = arith.constant 0 : i32
        %dma_start3A_27 = tpu.memref_slice %arg3[%add3A, %mul3A_15, %dma_start3A_26] : memref<32x80x128xi32, #tpu.memory_space<hbm>> -> memref<1x40x128xi32, #tpu.memory_space<hbm>>
        %dma_start3A_28 = tpu.memref_squeeze %dma_start3A_27 : memref<1x40x128xi32, #tpu.memory_space<hbm>> -> memref<40x128xi32, #tpu.memory_space<hbm>>
        tpu.enqueue_dma source(%dma_start3A_28 : memref<40x128xi32, #tpu.memory_space<hbm>>) target(%arg7 : memref<40x128xi32, #tpu.memory_space<vmem>>) target_semaphore(%run_scoped3A : memref<!tpu.dma_semaphore, #tpu.memory_space<semaphore_mem>>)
        %dma_wait3A = arith.constant 0 : i32
        %dma_wait3A_29 = tpu.memref_slice %arg3[%add3A, %mul3A_15, %dma_wait3A] : memref<32x80x128xi32, #tpu.memory_space<hbm>> -> memref<1x40x128xi32, #tpu.memory_space<hbm>>
        %dma_wait3A_30 = tpu.memref_squeeze %dma_wait3A_29 : memref<1x40x128xi32, #tpu.memory_space<hbm>> -> memref<40x128xi32, #tpu.memory_space<hbm>>
        %dma_wait3A_31 = arith.constant 0 : i32
        %dma_wait3A_32 = tpu.memref_slice %arg3[%add3A, %mul3A_15, %dma_wait3A_31] : memref<32x80x128xi32, #tpu.memory_space<hbm>> -> memref<1x40x128xi32, #tpu.memory_space<hbm>>
        %dma_wait3A_33 = tpu.memref_squeeze %dma_wait3A_32 : memref<1x40x128xi32, #tpu.memory_space<hbm>> -> memref<40x128xi32, #tpu.memory_space<hbm>>
        tpu.wait_dma2 semaphore(%run_scoped3A : memref<!tpu.dma_semaphore, #tpu.memory_space<semaphore_mem>>) src(%dma_wait3A_33 : memref<40x128xi32, #tpu.memory_space<hbm>>) dst(%arg7 : memref<40x128xi32, #tpu.memory_space<vmem>>)
        tpu.yield
      }) : () -> ()
      %mul3A_16 = arith.constant 40 : i32
      %mul3A_17 = arith.muli %scan3A_13, %mul3A_16 : i32
      "tpu.region"() ({
        %run_scoped3A = tpu.sem_alloc : memref<!tpu.dma_semaphore, #tpu.memory_space<semaphore_mem>>
        %dma_start3A = arith.constant 0 : i32
        %dma_start3A_24 = tpu.memref_slice %arg4[%add3A, %mul3A_17, %dma_start3A] : memref<32x80x128xi32, #tpu.memory_space<hbm>> -> memref<1x40x128xi32, #tpu.memory_space<hbm>>
        %dma_start3A_25 = tpu.memref_squeeze %dma_start3A_24 : memref<1x40x128xi32, #tpu.memory_space<hbm>> -> memref<40x128xi32, #tpu.memory_space<hbm>>
        %dma_start3A_26 = arith.constant 0 : i32
        %dma_start3A_27 = tpu.memref_slice %arg4[%add3A, %mul3A_17, %dma_start3A_26] : memref<32x80x128xi32, #tpu.memory_space<hbm>> -> memref<1x40x128xi32, #tpu.memory_space<hbm>>
        %dma_start3A_28 = tpu.memref_squeeze %dma_start3A_27 : memref<1x40x128xi32, #tpu.memory_space<hbm>> -> memref<40x128xi32, #tpu.memory_space<hbm>>
        tpu.enqueue_dma source(%dma_start3A_28 : memref<40x128xi32, #tpu.memory_space<hbm>>) target(%arg8 : memref<40x128xi32, #tpu.memory_space<vmem>>) target_semaphore(%run_scoped3A : memref<!tpu.dma_semaphore, #tpu.memory_space<semaphore_mem>>)
        %dma_wait3A = arith.constant 0 : i32
        %dma_wait3A_29 = tpu.memref_slice %arg4[%add3A, %mul3A_17, %dma_wait3A] : memref<32x80x128xi32, #tpu.memory_space<hbm>> -> memref<1x40x128xi32, #tpu.memory_space<hbm>>
        %dma_wait3A_30 = tpu.memref_squeeze %dma_wait3A_29 : memref<1x40x128xi32, #tpu.memory_space<hbm>> -> memref<40x128xi32, #tpu.memory_space<hbm>>
        %dma_wait3A_31 = arith.constant 0 : i32
        %dma_wait3A_32 = tpu.memref_slice %arg4[%add3A, %mul3A_17, %dma_wait3A_31] : memref<32x80x128xi32, #tpu.memory_space<hbm>> -> memref<1x40x128xi32, #tpu.memory_space<hbm>>
        %dma_wait3A_33 = tpu.memref_squeeze %dma_wait3A_32 : memref<1x40x128xi32, #tpu.memory_space<hbm>> -> memref<40x128xi32, #tpu.memory_space<hbm>>
        tpu.wait_dma2 semaphore(%run_scoped3A : memref<!tpu.dma_semaphore, #tpu.memory_space<semaphore_mem>>) src(%dma_wait3A_33 : memref<40x128xi32, #tpu.memory_space<hbm>>) dst(%arg8 : memref<40x128xi32, #tpu.memory_space<vmem>>)
        tpu.yield
      }) : () -> ()
      %scan3A_18 = arith.constant 0 : i32
      %scan3A_19 = arith.constant 0 : i32
      %scan3A_20 = arith.constant 40 : i32
      %scan3A_21 = arith.addi %scan3A_19, %scan3A_20 : i32
      %scan3A_22 = arith.constant 1 : i32
      scf.for %scan3A_24 = %scan3A_19 to %scan3A_21 step %scan3A_22  : i32 {
        "tpu.region"() ({
          %run_scoped3A = tpu.sem_alloc : memref<!tpu.dma_semaphore, #tpu.memory_space<semaphore_mem>>
          %dma_start3A = arith.constant 0 : i32
          %dma_start3A_25 = tpu.memref_slice %arg7[%scan3A_24, %dma_start3A] : memref<40x128xi32, #tpu.memory_space<vmem>> -> memref<1x128xi32, #tpu.memory_space<vmem>>
          %dma_start3A_26 = tpu.memref_squeeze %dma_start3A_25 : memref<1x128xi32, #tpu.memory_space<vmem>> -> memref<128xi32, #tpu.memory_space<vmem>>
          %dma_start3A_27 = arith.constant 0 : i32
          %dma_start3A_28 = arith.constant 0 : i32
          %dma_start3A_29 = tpu.memref_slice %arg2[%dma_start3A_27, %dma_start3A_28] : memref<10240x128xf32, #tpu.memory_space<hbm>> -> memref<10240x128xf32, #tpu.memory_space<hbm>>
          tpu.enqueue_indirect_dma source(%dma_start3A_29 : memref<10240x128xf32, #tpu.memory_space<hbm>>) target(%arg9 : memref<128x128xf32, #tpu.memory_space<vmem>>) offsets(%dma_start3A_26 : memref<128xi32, #tpu.memory_space<vmem>>) semaphore(%run_scoped3A : memref<!tpu.dma_semaphore, #tpu.memory_space<semaphore_mem>>)
          %dma_wait3A = arith.constant 0 : i32
          %dma_wait3A_30 = tpu.memref_slice %arg7[%scan3A_24, %dma_wait3A] : memref<40x128xi32, #tpu.memory_space<vmem>> -> memref<1x128xi32, #tpu.memory_space<vmem>>
          %dma_wait3A_31 = tpu.memref_squeeze %dma_wait3A_30 : memref<1x128xi32, #tpu.memory_space<vmem>> -> memref<128xi32, #tpu.memory_space<vmem>>
          %dma_wait3A_32 = arith.constant 0 : i32
          %dma_wait3A_33 = arith.constant 0 : i32
          %dma_wait3A_34 = tpu.memref_slice %arg2[%dma_wait3A_32, %dma_wait3A_33] : memref<10240x128xf32, #tpu.memory_space<hbm>> -> memref<10240x128xf32, #tpu.memory_space<hbm>>
          tpu.wait_indirect_dma semaphore(%run_scoped3A : memref<!tpu.dma_semaphore, #tpu.memory_space<semaphore_mem>>) src(%dma_wait3A_34 : memref<10240x128xf32, #tpu.memory_space<hbm>>) dst(%arg9 : memref<128x128xf32, #tpu.memory_space<vmem>>)
          tpu.yield
        }) : () -> ()
        "tpu.region"() ({
          %run_scoped3A = tpu.sem_alloc : memref<!tpu.dma_semaphore, #tpu.memory_space<semaphore_mem>>
          %dma_start3A = arith.constant 0 : i32
          %dma_start3A_25 = tpu.memref_slice %arg8[%scan3A_24, %dma_start3A] : memref<40x128xi32, #tpu.memory_space<vmem>> -> memref<1x128xi32, #tpu.memory_space<vmem>>
          %dma_start3A_26 = tpu.memref_squeeze %dma_start3A_25 : memref<1x128xi32, #tpu.memory_space<vmem>> -> memref<128xi32, #tpu.memory_space<vmem>>
          %dma_start3A_27 = arith.constant 0 : i32
          %dma_start3A_28 = arith.constant 0 : i32
          %dma_start3A_29 = tpu.memref_slice %arg10[%dma_start3A_27, %dma_start3A_28] : memref<10240x128xf32, #tpu.memory_space<vmem_shared>> -> memref<10240x128xf32, #tpu.memory_space<vmem_shared>>
          tpu.enqueue_indirect_dma source(%arg9 : memref<128x128xf32, #tpu.memory_space<vmem>>) target(%dma_start3A_29 : memref<10240x128xf32, #tpu.memory_space<vmem_shared>>) offsets(%dma_start3A_26 : memref<128xi32, #tpu.memory_space<vmem>>) semaphore(%run_scoped3A : memref<!tpu.dma_semaphore, #tpu.memory_space<semaphore_mem>>) {add = true}
          %dma_wait3A = arith.constant 0 : i32
          %dma_wait3A_30 = tpu.memref_slice %arg8[%scan3A_24, %dma_wait3A] : memref<40x128xi32, #tpu.memory_space<vmem>> -> memref<1x128xi32, #tpu.memory_space<vmem>>
          %dma_wait3A_31 = tpu.memref_squeeze %dma_wait3A_30 : memref<1x128xi32, #tpu.memory_space<vmem>> -> memref<128xi32, #tpu.memory_space<vmem>>
          %dma_wait3A_32 = arith.constant 0 : i32
          %dma_wait3A_33 = arith.constant 0 : i32
          %dma_wait3A_34 = tpu.memref_slice %arg10[%dma_wait3A_32, %dma_wait3A_33] : memref<10240x128xf32, #tpu.memory_space<vmem_shared>> -> memref<10240x128xf32, #tpu.memory_space<vmem_shared>>
          tpu.wait_indirect_dma semaphore(%run_scoped3A : memref<!tpu.dma_semaphore, #tpu.memory_space<semaphore_mem>>) src(%arg9 : memref<128x128xf32, #tpu.memory_space<vmem>>) dst(%dma_wait3A_34 : memref<10240x128xf32, #tpu.memory_space<vmem_shared>>)
          tpu.yield
        }) : () -> ()
      }
      %scan3A_23 = arith.constant 40 : i32
    }
    %scan3A_7 = arith.constant 2 : i32
    %barrier3A_8 = arith.constant 0 : index
    tpu.barrier barrier_id(%barrier3A_8)
    %mul3A_9 = arith.constant 640 : i32
    %mul3A_10 = arith.muli %arg1, %mul3A_9 : i32
    %mul3A_11 = arith.constant 640 : i32
    %mul3A_12 = arith.muli %arg1, %mul3A_11 : i32
    "tpu.region"() ({
      %run_scoped3A = tpu.sem_alloc : memref<!tpu.dma_semaphore, #tpu.memory_space<semaphore_mem>>
      %dma_start3A = arith.constant 0 : i32
      %dma_start3A_13 = tpu.memref_slice %arg6[%arg0, %mul3A_12, %dma_start3A] : memref<2x10240x128xf32, #tpu.memory_space<hbm>> -> memref<1x640x128xf32, #tpu.memory_space<hbm>>
      %dma_start3A_14 = tpu.memref_squeeze %dma_start3A_13 : memref<1x640x128xf32, #tpu.memory_space<hbm>> -> memref<640x128xf32, #tpu.memory_space<hbm>>
      %dma_start3A_15 = arith.constant 0 : i32
      %dma_start3A_16 = tpu.memref_slice %arg10[%mul3A_10, %dma_start3A_15] : memref<10240x128xf32, #tpu.memory_space<vmem_shared>> -> memref<640x128xf32, #tpu.memory_space<vmem_shared>>
      tpu.enqueue_dma source(%dma_start3A_16 : memref<640x128xf32, #tpu.memory_space<vmem_shared>>) target(%dma_start3A_14 : memref<640x128xf32, #tpu.memory_space<hbm>>) target_semaphore(%run_scoped3A : memref<!tpu.dma_semaphore, #tpu.memory_space<semaphore_mem>>)
      %dma_wait3A = arith.constant 0 : i32
      %dma_wait3A_17 = tpu.memref_slice %arg6[%arg0, %mul3A_12, %dma_wait3A] : memref<2x10240x128xf32, #tpu.memory_space<hbm>> -> memref<1x640x128xf32, #tpu.memory_space<hbm>>
      %dma_wait3A_18 = tpu.memref_squeeze %dma_wait3A_17 : memref<1x640x128xf32, #tpu.memory_space<hbm>> -> memref<640x128xf32, #tpu.memory_space<hbm>>
      %dma_wait3A_19 = arith.constant 0 : i32
      %dma_wait3A_20 = tpu.memref_slice %arg10[%mul3A_10, %dma_wait3A_19] : memref<10240x128xf32, #tpu.memory_space<vmem_shared>> -> memref<640x128xf32, #tpu.memory_space<vmem_shared>>
      tpu.wait_dma2 semaphore(%run_scoped3A : memref<!tpu.dma_semaphore, #tpu.memory_space<semaphore_mem>>) src(%dma_wait3A_20 : memref<640x128xf32, #tpu.memory_space<vmem_shared>>) dst(%dma_wait3A_18 : memref<640x128xf32, #tpu.memory_space<hbm>>)
      tpu.yield
    }) : () -> ()
    return
  }
}

#map = affine_map<(d0, d1) -> (0, 0)>
#map1 = affine_map<(d0, d1) -> (0, 0, 0)>
module attributes {stable_mosaic.version = 14 : i64} {
  func.func @k(%arg0: i32, %arg1: i32, %arg2: memref<10240x128xf32, #tpu.memory_space<hbm>>, %arg3: memref<32x80x128xi32, #tpu.memory_space<hbm>>, %arg4: memref<32x80x128xi32, #tpu.memory_space<hbm>>, %arg5: memref<640x128xf32, #tpu.memory_space<hbm>>, %arg6: memref<2x10240x128xf32, #tpu.memory_space<hbm>>, %arg7: memref<40x128xi32, #tpu.memory_space<vmem>>, %arg8: memref<40x128xi32, #tpu.memory_space<vmem>>, %arg9: memref<128x128xf32, #tpu.memory_space<vmem>>, %arg10: memref<10240x128xf32, #tpu.memory_space<vmem_shared>>) attributes {dimension_semantics = [#tpu.dimension_semantics<core_parallel>, #tpu.dimension_semantics<subcore_parallel>], iteration_bounds = array<i64: 2, 16>, scalar_prefetch = 0 : i64, scratch_operands = 4 : i64, tpu.core_type = #tpu.core_type<sc_vector_subcore>, window_params = [{transform_indices = #map}, {transform_indices = #map1}, {transform_indices = #map1}, {transform_indices = #map}, {transform_indices = #map1}]} {
    %mul3A = arith.constant 16 : i32
    %mul3A_0 = arith.muli %arg0, %mul3A : i32
    %add3A = arith.addi %mul3A_0, %arg1 : i32
    %mul3A_1 = arith.constant 640 : i32
    %mul3A_2 = arith.muli %arg1, %mul3A_1 : i32
    "tpu.region"() ({
      %run_scoped3A = tpu.sem_alloc : memref<!tpu.dma_semaphore, #tpu.memory_space<semaphore_mem>>
      %dma_start3A = arith.constant 0 : i32
      %dma_start3A_13 = tpu.memref_slice %arg10[%mul3A_2, %dma_start3A] : memref<10240x128xf32, #tpu.memory_space<vmem_shared>> -> memref<640x128xf32, #tpu.memory_space<vmem_shared>>
      tpu.enqueue_dma source(%arg5 : memref<640x128xf32, #tpu.memory_space<hbm>>) target(%dma_start3A_13 : memref<640x128xf32, #tpu.memory_space<vmem_shared>>) target_semaphore(%run_scoped3A : memref<!tpu.dma_semaphore, #tpu.memory_space<semaphore_mem>>)
      %dma_wait3A = arith.constant 0 : i32
      %dma_wait3A_14 = tpu.memref_slice %arg10[%mul3A_2, %dma_wait3A] : memref<10240x128xf32, #tpu.memory_space<vmem_shared>> -> memref<640x128xf32, #tpu.memory_space<vmem_shared>>
      tpu.wait_dma2 semaphore(%run_scoped3A : memref<!tpu.dma_semaphore, #tpu.memory_space<semaphore_mem>>) src(%arg5 : memref<640x128xf32, #tpu.memory_space<hbm>>) dst(%dma_wait3A_14 : memref<640x128xf32, #tpu.memory_space<vmem_shared>>)
      tpu.yield
    }) : () -> ()
    %barrier3A = arith.constant 0 : index
    tpu.barrier barrier_id(%barrier3A)
    %scan3A = arith.constant 0 : i32
    %scan3A_3 = arith.constant 0 : i32
    %scan3A_4 = arith.constant 2 : i32
    %scan3A_5 = arith.addi %scan3A_3, %scan3A_4 : i32
    %scan3A_6 = arith.constant 1 : i32
    scf.for %scan3A_13 = %scan3A_3 to %scan3A_5 step %scan3A_6  : i32 {
      %mul3A_14 = arith.constant 40 : i32
      %mul3A_15 = arith.muli %scan3A_13, %mul3A_14 : i32
      "tpu.region"() ({
        %run_scoped3A = tpu.sem_alloc : memref<!tpu.dma_semaphore, #tpu.memory_space<semaphore_mem>>
        %dma_start3A = arith.constant 0 : i32
        %dma_start3A_24 = tpu.memref_slice %arg3[%add3A, %mul3A_15, %dma_start3A] : memref<32x80x128xi32, #tpu.memory_space<hbm>> -> memref<1x40x128xi32, #tpu.memory_space<hbm>>
        %dma_start3A_25 = tpu.memref_squeeze %dma_start3A_24 : memref<1x40x128xi32, #tpu.memory_space<hbm>> -> memref<40x128xi32, #tpu.memory_space<hbm>>
        %dma_start3A_26 = arith.constant 0 : i32
        %dma_start3A_27 = tpu.memref_slice %arg3[%add3A, %mul3A_15, %dma_start3A_26] : memref<32x80x128xi32, #tpu.memory_space<hbm>> -> memref<1x40x128xi32, #tpu.memory_space<hbm>>
        %dma_start3A_28 = tpu.memref_squeeze %dma_start3A_27 : memref<1x40x128xi32, #tpu.memory_space<hbm>> -> memref<40x128xi32, #tpu.memory_space<hbm>>
        tpu.enqueue_dma source(%dma_start3A_28 : memref<40x128xi32, #tpu.memory_space<hbm>>) target(%arg7 : memref<40x128xi32, #tpu.memory_space<vmem>>) target_semaphore(%run_scoped3A : memref<!tpu.dma_semaphore, #tpu.memory_space<semaphore_mem>>)
        %dma_wait3A = arith.constant 0 : i32
        %dma_wait3A_29 = tpu.memref_slice %arg3[%add3A, %mul3A_15, %dma_wait3A] : memref<32x80x128xi32, #tpu.memory_space<hbm>> -> memref<1x40x128xi32, #tpu.memory_space<hbm>>
        %dma_wait3A_30 = tpu.memref_squeeze %dma_wait3A_29 : memref<1x40x128xi32, #tpu.memory_space<hbm>> -> memref<40x128xi32, #tpu.memory_space<hbm>>
        %dma_wait3A_31 = arith.constant 0 : i32
        %dma_wait3A_32 = tpu.memref_slice %arg3[%add3A, %mul3A_15, %dma_wait3A_31] : memref<32x80x128xi32, #tpu.memory_space<hbm>> -> memref<1x40x128xi32, #tpu.memory_space<hbm>>
        %dma_wait3A_33 = tpu.memref_squeeze %dma_wait3A_32 : memref<1x40x128xi32, #tpu.memory_space<hbm>> -> memref<40x128xi32, #tpu.memory_space<hbm>>
        tpu.wait_dma2 semaphore(%run_scoped3A : memref<!tpu.dma_semaphore, #tpu.memory_space<semaphore_mem>>) src(%dma_wait3A_33 : memref<40x128xi32, #tpu.memory_space<hbm>>) dst(%arg7 : memref<40x128xi32, #tpu.memory_space<vmem>>)
        tpu.yield
      }) : () -> ()
      %mul3A_16 = arith.constant 40 : i32
      %mul3A_17 = arith.muli %scan3A_13, %mul3A_16 : i32
      "tpu.region"() ({
        %run_scoped3A = tpu.sem_alloc : memref<!tpu.dma_semaphore, #tpu.memory_space<semaphore_mem>>
        %dma_start3A = arith.constant 0 : i32
        %dma_start3A_24 = tpu.memref_slice %arg4[%add3A, %mul3A_17, %dma_start3A] : memref<32x80x128xi32, #tpu.memory_space<hbm>> -> memref<1x40x128xi32, #tpu.memory_space<hbm>>
        %dma_start3A_25 = tpu.memref_squeeze %dma_start3A_24 : memref<1x40x128xi32, #tpu.memory_space<hbm>> -> memref<40x128xi32, #tpu.memory_space<hbm>>
        %dma_start3A_26 = arith.constant 0 : i32
        %dma_start3A_27 = tpu.memref_slice %arg4[%add3A, %mul3A_17, %dma_start3A_26] : memref<32x80x128xi32, #tpu.memory_space<hbm>> -> memref<1x40x128xi32, #tpu.memory_space<hbm>>
        %dma_start3A_28 = tpu.memref_squeeze %dma_start3A_27 : memref<1x40x128xi32, #tpu.memory_space<hbm>> -> memref<40x128xi32, #tpu.memory_space<hbm>>
        tpu.enqueue_dma source(%dma_start3A_28 : memref<40x128xi32, #tpu.memory_space<hbm>>) target(%arg8 : memref<40x128xi32, #tpu.memory_space<vmem>>) target_semaphore(%run_scoped3A : memref<!tpu.dma_semaphore, #tpu.memory_space<semaphore_mem>>)
        %dma_wait3A = arith.constant 0 : i32
        %dma_wait3A_29 = tpu.memref_slice %arg4[%add3A, %mul3A_17, %dma_wait3A] : memref<32x80x128xi32, #tpu.memory_space<hbm>> -> memref<1x40x128xi32, #tpu.memory_space<hbm>>
        %dma_wait3A_30 = tpu.memref_squeeze %dma_wait3A_29 : memref<1x40x128xi32, #tpu.memory_space<hbm>> -> memref<40x128xi32, #tpu.memory_space<hbm>>
        %dma_wait3A_31 = arith.constant 0 : i32
        %dma_wait3A_32 = tpu.memref_slice %arg4[%add3A, %mul3A_17, %dma_wait3A_31] : memref<32x80x128xi32, #tpu.memory_space<hbm>> -> memref<1x40x128xi32, #tpu.memory_space<hbm>>
        %dma_wait3A_33 = tpu.memref_squeeze %dma_wait3A_32 : memref<1x40x128xi32, #tpu.memory_space<hbm>> -> memref<40x128xi32, #tpu.memory_space<hbm>>
        tpu.wait_dma2 semaphore(%run_scoped3A : memref<!tpu.dma_semaphore, #tpu.memory_space<semaphore_mem>>) src(%dma_wait3A_33 : memref<40x128xi32, #tpu.memory_space<hbm>>) dst(%arg8 : memref<40x128xi32, #tpu.memory_space<vmem>>)
        tpu.yield
      }) : () -> ()
      %scan3A_18 = arith.constant 0 : i32
      %scan3A_19 = arith.constant 0 : i32
      %scan3A_20 = arith.constant 40 : i32
      %scan3A_21 = arith.addi %scan3A_19, %scan3A_20 : i32
      %scan3A_22 = arith.constant 1 : i32
      scf.for %scan3A_24 = %scan3A_19 to %scan3A_21 step %scan3A_22  : i32 {
        "tpu.region"() ({
          %run_scoped3A = tpu.sem_alloc : memref<!tpu.dma_semaphore, #tpu.memory_space<semaphore_mem>>
          %dma_start3A = arith.constant 0 : i32
          %dma_start3A_25 = tpu.memref_slice %arg7[%scan3A_24, %dma_start3A] : memref<40x128xi32, #tpu.memory_space<vmem>> -> memref<1x128xi32, #tpu.memory_space<vmem>>
          %dma_start3A_26 = tpu.memref_squeeze %dma_start3A_25 : memref<1x128xi32, #tpu.memory_space<vmem>> -> memref<128xi32, #tpu.memory_space<vmem>>
          %dma_start3A_27 = arith.constant 0 : i32
          %dma_start3A_28 = arith.constant 0 : i32
          %dma_start3A_29 = tpu.memref_slice %arg2[%dma_start3A_27, %dma_start3A_28] : memref<10240x128xf32, #tpu.memory_space<hbm>> -> memref<10240x128xf32, #tpu.memory_space<hbm>>
          tpu.enqueue_indirect_dma source(%dma_start3A_29 : memref<10240x128xf32, #tpu.memory_space<hbm>>) target(%arg9 : memref<128x128xf32, #tpu.memory_space<vmem>>) offsets(%dma_start3A_26 : memref<128xi32, #tpu.memory_space<vmem>>) semaphore(%run_scoped3A : memref<!tpu.dma_semaphore, #tpu.memory_space<semaphore_mem>>)
          %dma_wait3A = arith.constant 0 : i32
          %dma_wait3A_30 = tpu.memref_slice %arg7[%scan3A_24, %dma_wait3A] : memref<40x128xi32, #tpu.memory_space<vmem>> -> memref<1x128xi32, #tpu.memory_space<vmem>>
          %dma_wait3A_31 = tpu.memref_squeeze %dma_wait3A_30 : memref<1x128xi32, #tpu.memory_space<vmem>> -> memref<128xi32, #tpu.memory_space<vmem>>
          %dma_wait3A_32 = arith.constant 0 : i32
          %dma_wait3A_33 = arith.constant 0 : i32
          %dma_wait3A_34 = tpu.memref_slice %arg2[%dma_wait3A_32, %dma_wait3A_33] : memref<10240x128xf32, #tpu.memory_space<hbm>> -> memref<10240x128xf32, #tpu.memory_space<hbm>>
          tpu.wait_indirect_dma semaphore(%run_scoped3A : memref<!tpu.dma_semaphore, #tpu.memory_space<semaphore_mem>>) src(%dma_wait3A_34 : memref<10240x128xf32, #tpu.memory_space<hbm>>) dst(%arg9 : memref<128x128xf32, #tpu.memory_space<vmem>>)
          tpu.yield
        }) : () -> ()
        "tpu.region"() ({
          %run_scoped3A = tpu.sem_alloc : memref<!tpu.dma_semaphore, #tpu.memory_space<semaphore_mem>>
          %dma_start3A = arith.constant 0 : i32
          %dma_start3A_25 = tpu.memref_slice %arg8[%scan3A_24, %dma_start3A] : memref<40x128xi32, #tpu.memory_space<vmem>> -> memref<1x128xi32, #tpu.memory_space<vmem>>
          %dma_start3A_26 = tpu.memref_squeeze %dma_start3A_25 : memref<1x128xi32, #tpu.memory_space<vmem>> -> memref<128xi32, #tpu.memory_space<vmem>>
          %dma_start3A_27 = arith.constant 0 : i32
          %dma_start3A_28 = arith.constant 0 : i32
          %dma_start3A_29 = tpu.memref_slice %arg10[%dma_start3A_27, %dma_start3A_28] : memref<10240x128xf32, #tpu.memory_space<vmem_shared>> -> memref<10240x128xf32, #tpu.memory_space<vmem_shared>>
          tpu.enqueue_indirect_dma source(%arg9 : memref<128x128xf32, #tpu.memory_space<vmem>>) target(%dma_start3A_29 : memref<10240x128xf32, #tpu.memory_space<vmem_shared>>) offsets(%dma_start3A_26 : memref<128xi32, #tpu.memory_space<vmem>>) semaphore(%run_scoped3A : memref<!tpu.dma_semaphore, #tpu.memory_space<semaphore_mem>>) {add = true}
          %dma_wait3A = arith.constant 0 : i32
          %dma_wait3A_30 = tpu.memref_slice %arg8[%scan3A_24, %dma_wait3A] : memref<40x128xi32, #tpu.memory_space<vmem>> -> memref<1x128xi32, #tpu.memory_space<vmem>>
          %dma_wait3A_31 = tpu.memref_squeeze %dma_wait3A_30 : memref<1x128xi32, #tpu.memory_space<vmem>> -> memref<128xi32, #tpu.memory_space<vmem>>
          %dma_wait3A_32 = arith.constant 0 : i32
          %dma_wait3A_33 = arith.constant 0 : i32
          %dma_wait3A_34 = tpu.memref_slice %arg10[%dma_wait3A_32, %dma_wait3A_33] : memref<10240x128xf32, #tpu.memory_space<vmem_shared>> -> memref<10240x128xf32, #tpu.memory_space<vmem_shared>>
          tpu.wait_indirect_dma semaphore(%run_scoped3A : memref<!tpu.dma_semaphore, #tpu.memory_space<semaphore_mem>>) src(%arg9 : memref<128x128xf32, #tpu.memory_space<vmem>>) dst(%dma_wait3A_34 : memref<10240x128xf32, #tpu.memory_space<vmem_shared>>)
          tpu.yield
        }) : () -> ()
      }
      %scan3A_23 = arith.constant 40 : i32
    }
    %scan3A_7 = arith.constant 2 : i32
    %barrier3A_8 = arith.constant 0 : index
    tpu.barrier barrier_id(%barrier3A_8)
    %mul3A_9 = arith.constant 640 : i32
    %mul3A_10 = arith.muli %arg1, %mul3A_9 : i32
    %mul3A_11 = arith.constant 640 : i32
    %mul3A_12 = arith.muli %arg1, %mul3A_11 : i32
    "tpu.region"() ({
      %run_scoped3A = tpu.sem_alloc : memref<!tpu.dma_semaphore, #tpu.memory_space<semaphore_mem>>
      %dma_start3A = arith.constant 0 : i32
      %dma_start3A_13 = tpu.memref_slice %arg6[%arg0, %mul3A_12, %dma_start3A] : memref<2x10240x128xf32, #tpu.memory_space<hbm>> -> memref<1x640x128xf32, #tpu.memory_space<hbm>>
      %dma_start3A_14 = tpu.memref_squeeze %dma_start3A_13 : memref<1x640x128xf32, #tpu.memory_space<hbm>> -> memref<640x128xf32, #tpu.memory_space<hbm>>
      %dma_start3A_15 = arith.constant 0 : i32
      %dma_start3A_16 = tpu.memref_slice %arg10[%mul3A_10, %dma_start3A_15] : memref<10240x128xf32, #tpu.memory_space<vmem_shared>> -> memref<640x128xf32, #tpu.memory_space<vmem_shared>>
      tpu.enqueue_dma source(%dma_start3A_16 : memref<640x128xf32, #tpu.memory_space<vmem_shared>>) target(%dma_start3A_14 : memref<640x128xf32, #tpu.memory_space<hbm>>) target_semaphore(%run_scoped3A : memref<!tpu.dma_semaphore, #tpu.memory_space<semaphore_mem>>)
      %dma_wait3A = arith.constant 0 : i32
      %dma_wait3A_17 = tpu.memref_slice %arg6[%arg0, %mul3A_12, %dma_wait3A] : memref<2x10240x128xf32, #tpu.memory_space<hbm>> -> memref<1x640x128xf32, #tpu.memory_space<hbm>>
      %dma_wait3A_18 = tpu.memref_squeeze %dma_wait3A_17 : memref<1x640x128xf32, #tpu.memory_space<hbm>> -> memref<640x128xf32, #tpu.memory_space<hbm>>
      %dma_wait3A_19 = arith.constant 0 : i32
      %dma_wait3A_20 = tpu.memref_slice %arg10[%mul3A_10, %dma_wait3A_19] : memref<10240x128xf32, #tpu.memory_space<vmem_shared>> -> memref<640x128xf32, #tpu.memory_space<vmem_shared>>
      tpu.wait_dma2 semaphore(%run_scoped3A : memref<!tpu.dma_semaphore, #tpu.memory_space<semaphore_mem>>) src(%dma_wait3A_20 : memref<640x128xf32, #tpu.memory_space<vmem_shared>>) dst(%dma_wait3A_18 : memref<640x128xf32, #tpu.memory_space<hbm>>)
      tpu.yield
    }) : () -> ()
    return
  }
}

module attributes {stable_mosaic.version = 14 : i64} {
  func.func @body(%arg0: i32, %arg1: memref<1024x128xf32, #tpu.memory_space<vmem>>, %arg2: memref<128x128xf32, #tpu.memory_space<vmem>>, %arg3: memref<2x1024x128xf32, #tpu.memory_space<vmem>>, %arg4: memref<1024x128xf32, #tpu.memory_space<vmem>>) attributes {dimension_semantics = [#tpu.dimension_semantics<arbitrary>], iteration_bounds = array<i64: 10>, scalar_prefetch = 0 : i64, scratch_operands = 0 : i64, tpu.core_type = #tpu.core_type<tc>, window_params = [{transform_indices = @transform_0, window_bounds = array<i64: 1024, 128>}, {pipeline_mode = #tpu.pipeline_mode<synchronous>, transform_indices = @transform_1, window_bounds = array<i64: 128, 128>}, {transform_indices = @transform_2, window_bounds = array<i64: 2, 1024, 128>}, {transform_indices = @transform_3, window_bounds = array<i64: 1024, 128>}]} {
    %get3A = arith.constant 0 : index
    %get3A_0 = arith.constant 0 : index
    %get3A_1 = arith.constant 0 : index
    %get3A_2 = vector.load %arg3[%get3A, %get3A_0, %get3A_1] : memref<2x1024x128xf32, #tpu.memory_space<vmem>>, vector<1x1024x128xf32>
    %get3A_3 = vector.shape_cast %get3A_2 : vector<1x1024x128xf32> to vector<1024x128xf32>
    %slice3A = vector.extract_strided_slice %get3A_3 {offsets = [0, 0], sizes = [1024, 1], strides = [1, 1]} : vector<1024x128xf32> to vector<1024x1xf32>
    %get3A_4 = arith.constant 1 : index
    %get3A_5 = arith.constant 0 : index
    %get3A_6 = arith.constant 0 : index
    %get3A_7 = vector.load %arg3[%get3A_4, %get3A_5, %get3A_6] : memref<2x1024x128xf32, #tpu.memory_space<vmem>>, vector<1x1024x128xf32>
    %get3A_8 = vector.shape_cast %get3A_7 : vector<1x1024x128xf32> to vector<1024x128xf32>
    %slice3A_9 = vector.extract_strided_slice %get3A_8 {offsets = [0, 0], sizes = [1024, 1], strides = [1, 1]} : vector<1024x128xf32> to vector<1024x1xf32>
    %add3A = arith.addf %slice3A, %slice3A_9 : vector<1024x1xf32>
    %add3A_10 = arith.constant 1.000000e+00 : f32
    %add3A_11 = vector.broadcast %add3A_10 : f32 to vector<1024x1xf32>
    %add3A_12 = arith.addf %add3A, %add3A_11 : vector<1024x1xf32>
    %rsqrt3A = math.rsqrt %add3A_12 : vector<1024x1xf32>
    %get3A_13 = arith.constant 0 : index
    %get3A_14 = arith.constant 0 : index
    %get3A_15 = vector.load %arg1[%get3A_13, %get3A_14] : memref<1024x128xf32, #tpu.memory_space<vmem>>, vector<1024x128xf32>
    %get3A_16 = arith.constant 0 : index
    %get3A_17 = arith.constant 0 : index
    %get3A_18 = vector.load %arg2[%get3A_16, %get3A_17] : memref<128x128xf32, #tpu.memory_space<vmem>>, vector<128x128xf32>
    %dot_general3A = arith.constant dense<0.000000e+00> : vector<1024x128xf32>
    %dot_general3A_19 = tpu.matmul %get3A_15, %get3A_18, %dot_general3A {dimension_numbers = #tpu.dot_dimension_numbers<[1], [0], [0], [1], [0, 0, 1, 1], [], []>, transpose_lhs_hint = false} : vector<1024x128xf32>, vector<128x128xf32>, vector<1024x128xf32> -> vector<1024x128xf32>
    %mul3A = vector.broadcast %rsqrt3A : vector<1024x1xf32> to vector<1024x128xf32>
    %mul3A_20 = arith.mulf %dot_general3A_19, %mul3A : vector<1024x128xf32>
    %swap3A = arith.constant 0 : index
    %swap3A_21 = arith.constant 0 : index
    %swap3A_22 = vector.load %arg4[%swap3A, %swap3A_21] : memref<1024x128xf32, #tpu.memory_space<vmem>>, vector<1024x128xf32>
    tpu.vector_store %arg4[%swap3A, %swap3A_21], %mul3A_20 {strides = array<i32>} : memref<1024x128xf32, #tpu.memory_space<vmem>>, vector<1024x128xf32>,
    return
  }
  func.func @transform_0(%arg0: i32) -> (i32, i32) {
    %c0_i32 = arith.constant 0 : i32
    %c0_i32_0 = arith.constant 0 : i32
    return %arg0, %c0_i32 : i32, i32
  }
  func.func @transform_1(%arg0: i32) -> (i32, i32) {
    %c0_i32 = arith.constant 0 : i32
    %c0_i32_0 = arith.constant 0 : i32
    %c0_i32_1 = arith.constant 0 : i32
    return %c0_i32, %c0_i32_0 : i32, i32
  }
  func.func @transform_2(%arg0: i32) -> (i32, i32, i32) {
    %c0_i32 = arith.constant 0 : i32
    %c0_i32_0 = arith.constant 0 : i32
    %c0_i32_1 = arith.constant 0 : i32
    return %c0_i32, %arg0, %c0_i32_0 : i32, i32, i32
  }
  func.func @transform_3(%arg0: i32) -> (i32, i32) {
    %c0_i32 = arith.constant 0 : i32
    %c0_i32_0 = arith.constant 0 : i32
    return %arg0, %c0_i32 : i32, i32
  }
}

module attributes {stable_mosaic.version = 14 : i64} {
  func.func @body(%arg0: i32, %arg1: memref<2x1024x128xf32, #tpu.memory_space<vmem>>, %arg2: memref<1024x128xf32, #tpu.memory_space<vmem>>, %arg3: memref<2x1024x128xf32, #tpu.memory_space<vmem>>, %arg4: memref<1x128xf32, #tpu.memory_space<vmem>>, %arg5: memref<128x128xf32, #tpu.memory_space<vmem>>, %arg6: memref<1024x128xf32, #tpu.memory_space<vmem>>) attributes {dimension_semantics = [#tpu.dimension_semantics<arbitrary>], iteration_bounds = array<i64: 10>, scalar_prefetch = 0 : i64, scratch_operands = 0 : i64, tpu.core_type = #tpu.core_type<tc>, window_params = [{transform_indices = @transform_0, window_bounds = array<i64: 2, 1024, 128>}, {transform_indices = @transform_1, window_bounds = array<i64: 1024, 128>}, {transform_indices = @transform_2, window_bounds = array<i64: 2, 1024, 128>}, {pipeline_mode = #tpu.pipeline_mode<synchronous>, transform_indices = @transform_3, window_bounds = array<i64: 1, 128>}, {pipeline_mode = #tpu.pipeline_mode<synchronous>, transform_indices = @transform_4, window_bounds = array<i64: 128, 128>}, {transform_indices = @transform_5, window_bounds = array<i64: 1024, 128>}]} {
    %get3A = arith.constant 0 : index
    %get3A_0 = arith.constant 0 : index
    %get3A_1 = arith.constant 0 : index
    %get3A_2 = vector.load %arg3[%get3A, %get3A_0, %get3A_1] : memref<2x1024x128xf32, #tpu.memory_space<vmem>>, vector<1x1024x128xf32>
    %get3A_3 = vector.shape_cast %get3A_2 : vector<1x1024x128xf32> to vector<1024x128xf32>
    %slice3A = vector.extract_strided_slice %get3A_3 {offsets = [0, 0], sizes = [1024, 1], strides = [1, 1]} : vector<1024x128xf32> to vector<1024x1xf32>
    %get3A_4 = arith.constant 1 : index
    %get3A_5 = arith.constant 0 : index
    %get3A_6 = arith.constant 0 : index
    %get3A_7 = vector.load %arg3[%get3A_4, %get3A_5, %get3A_6] : memref<2x1024x128xf32, #tpu.memory_space<vmem>>, vector<1x1024x128xf32>
    %get3A_8 = vector.shape_cast %get3A_7 : vector<1x1024x128xf32> to vector<1024x128xf32>
    %slice3A_9 = vector.extract_strided_slice %get3A_8 {offsets = [0, 0], sizes = [1024, 1], strides = [1, 1]} : vector<1024x128xf32> to vector<1024x1xf32>
    %add3A = arith.addf %slice3A, %slice3A_9 : vector<1024x1xf32>
    %add3A_10 = arith.constant 1.000000e+00 : f32
    %add3A_11 = vector.broadcast %add3A_10 : f32 to vector<1024x1xf32>
    %add3A_12 = arith.addf %add3A, %add3A_11 : vector<1024x1xf32>
    %rsqrt3A = math.rsqrt %add3A_12 : vector<1024x1xf32>
    %get3A_13 = arith.constant 0 : index
    %get3A_14 = arith.constant 0 : index
    %get3A_15 = arith.constant 0 : index
    %get3A_16 = vector.load %arg1[%get3A_13, %get3A_14, %get3A_15] : memref<2x1024x128xf32, #tpu.memory_space<vmem>>, vector<1x1024x128xf32>
    %get3A_17 = vector.shape_cast %get3A_16 : vector<1x1024x128xf32> to vector<1024x128xf32>
    %get3A_18 = arith.constant 1 : index
    %get3A_19 = arith.constant 0 : index
    %get3A_20 = arith.constant 0 : index
    %get3A_21 = vector.load %arg1[%get3A_18, %get3A_19, %get3A_20] : memref<2x1024x128xf32, #tpu.memory_space<vmem>>, vector<1x1024x128xf32>
    %get3A_22 = vector.shape_cast %get3A_21 : vector<1x1024x128xf32> to vector<1024x128xf32>
    %add3A_23 = arith.addf %get3A_17, %get3A_22 : vector<1024x128xf32>
    %get3A_24 = arith.constant 0 : index
    %get3A_25 = arith.constant 0 : index
    %get3A_26 = vector.load %arg2[%get3A_24, %get3A_25] : memref<1024x128xf32, #tpu.memory_space<vmem>>, vector<1024x128xf32>
    %add3A_27 = arith.addf %add3A_23, %get3A_26 : vector<1024x128xf32>
    %mul3A = vector.broadcast %rsqrt3A : vector<1024x1xf32> to vector<1024x128xf32>
    %mul3A_28 = arith.mulf %add3A_27, %mul3A : vector<1024x128xf32>
    %get3A_29 = arith.constant 0 : index
    %get3A_30 = arith.constant 0 : index
    %get3A_31 = vector.load %arg4[%get3A_29, %get3A_30] : memref<1x128xf32, #tpu.memory_space<vmem>>, vector<1x128xf32>
    %add3A_32 = vector.broadcast %get3A_31 : vector<1x128xf32> to vector<1024x128xf32>
    %add3A_33 = arith.addf %mul3A_28, %add3A_32 : vector<1024x128xf32>
    %max3A = arith.constant 0.000000e+00 : f32
    %max3A_34 = vector.broadcast %max3A : f32 to vector<1024x128xf32>
    %max3A_35 = arith.maximumf %add3A_33, %max3A_34 : vector<1024x128xf32>
    %get3A_36 = arith.constant 0 : index
    %get3A_37 = arith.constant 0 : index
    %get3A_38 = vector.load %arg5[%get3A_36, %get3A_37] : memref<128x128xf32, #tpu.memory_space<vmem>>, vector<128x128xf32>
    %dot_general3A = arith.constant dense<0.000000e+00> : vector<1024x128xf32>
    %dot_general3A_39 = tpu.matmul %max3A_35, %get3A_38, %dot_general3A {dimension_numbers = #tpu.dot_dimension_numbers<[1], [0], [0], [1], [0, 0, 1, 1], [], []>, transpose_lhs_hint = false} : vector<1024x128xf32>, vector<128x128xf32>, vector<1024x128xf32> -> vector<1024x128xf32>
    %mul3A_40 = vector.broadcast %rsqrt3A : vector<1024x1xf32> to vector<1024x128xf32>
    %mul3A_41 = arith.mulf %dot_general3A_39, %mul3A_40 : vector<1024x128xf32>
    %swap3A = arith.constant 0 : index
    %swap3A_42 = arith.constant 0 : index
    %swap3A_43 = vector.load %arg6[%swap3A, %swap3A_42] : memref<1024x128xf32, #tpu.memory_space<vmem>>, vector<1024x128xf32>
    tpu.vector_store %arg6[%swap3A, %swap3A_42], %mul3A_41 {strides = array<i32>} : memref<1024x128xf32, #tpu.memory_space<vmem>>, vector<1024x128xf32>,
    return
  }
  func.func @transform_0(%arg0: i32) -> (i32, i32, i32) {
    %c0_i32 = arith.constant 0 : i32
    %c0_i32_0 = arith.constant 0 : i32
    %c0_i32_1 = arith.constant 0 : i32
    return %c0_i32, %arg0, %c0_i32_0 : i32, i32, i32
  }
  func.func @transform_1(%arg0: i32) -> (i32, i32) {
    %c0_i32 = arith.constant 0 : i32
    %c0_i32_0 = arith.constant 0 : i32
    return %arg0, %c0_i32 : i32, i32
  }
  func.func @transform_2(%arg0: i32) -> (i32, i32, i32) {
    %c0_i32 = arith.constant 0 : i32
    %c0_i32_0 = arith.constant 0 : i32
    %c0_i32_1 = arith.constant 0 : i32
    return %c0_i32, %arg0, %c0_i32_0 : i32, i32, i32
  }
  func.func @transform_3(%arg0: i32) -> (i32, i32) {
    %c0_i32 = arith.constant 0 : i32
    %c0_i32_0 = arith.constant 0 : i32
    %c0_i32_1 = arith.constant 0 : i32
    return %c0_i32, %c0_i32_0 : i32, i32
  }
  func.func @transform_4(%arg0: i32) -> (i32, i32) {
    %c0_i32 = arith.constant 0 : i32
    %c0_i32_0 = arith.constant 0 : i32
    %c0_i32_1 = arith.constant 0 : i32
    return %c0_i32, %c0_i32_0 : i32, i32
  }
  func.func @transform_5(%arg0: i32) -> (i32, i32) {
    %c0_i32 = arith.constant 0 : i32
    %c0_i32_0 = arith.constant 0 : i32
    return %arg0, %c0_i32 : i32, i32
  }
}

module attributes {stable_mosaic.version = 14 : i64} {
  func.func @body(%arg0: i32, %arg1: memref<2x1024x128xf32, #tpu.memory_space<vmem>>, %arg2: memref<1024x128xf32, #tpu.memory_space<vmem>>, %arg3: memref<2x1024x128xf32, #tpu.memory_space<vmem>>, %arg4: memref<1x128xf32, #tpu.memory_space<vmem>>, %arg5: memref<1024x128xf32, #tpu.memory_space<vmem>>) attributes {dimension_semantics = [#tpu.dimension_semantics<arbitrary>], iteration_bounds = array<i64: 10>, scalar_prefetch = 0 : i64, scratch_operands = 0 : i64, tpu.core_type = #tpu.core_type<tc>, window_params = [{transform_indices = @transform_0, window_bounds = array<i64: 2, 1024, 128>}, {transform_indices = @transform_1, window_bounds = array<i64: 1024, 128>}, {transform_indices = @transform_2, window_bounds = array<i64: 2, 1024, 128>}, {pipeline_mode = #tpu.pipeline_mode<synchronous>, transform_indices = @transform_3, window_bounds = array<i64: 1, 128>}, {transform_indices = @transform_4, window_bounds = array<i64: 1024, 128>}]} {
    %get3A = arith.constant 0 : index
    %get3A_0 = arith.constant 0 : index
    %get3A_1 = arith.constant 0 : index
    %get3A_2 = vector.load %arg3[%get3A, %get3A_0, %get3A_1] : memref<2x1024x128xf32, #tpu.memory_space<vmem>>, vector<1x1024x128xf32>
    %get3A_3 = vector.shape_cast %get3A_2 : vector<1x1024x128xf32> to vector<1024x128xf32>
    %slice3A = vector.extract_strided_slice %get3A_3 {offsets = [0, 0], sizes = [1024, 1], strides = [1, 1]} : vector<1024x128xf32> to vector<1024x1xf32>
    %get3A_4 = arith.constant 1 : index
    %get3A_5 = arith.constant 0 : index
    %get3A_6 = arith.constant 0 : index
    %get3A_7 = vector.load %arg3[%get3A_4, %get3A_5, %get3A_6] : memref<2x1024x128xf32, #tpu.memory_space<vmem>>, vector<1x1024x128xf32>
    %get3A_8 = vector.shape_cast %get3A_7 : vector<1x1024x128xf32> to vector<1024x128xf32>
    %slice3A_9 = vector.extract_strided_slice %get3A_8 {offsets = [0, 0], sizes = [1024, 1], strides = [1, 1]} : vector<1024x128xf32> to vector<1024x1xf32>
    %add3A = arith.addf %slice3A, %slice3A_9 : vector<1024x1xf32>
    %add3A_10 = arith.constant 1.000000e+00 : f32
    %add3A_11 = vector.broadcast %add3A_10 : f32 to vector<1024x1xf32>
    %add3A_12 = arith.addf %add3A, %add3A_11 : vector<1024x1xf32>
    %rsqrt3A = math.rsqrt %add3A_12 : vector<1024x1xf32>
    %get3A_13 = arith.constant 0 : index
    %get3A_14 = arith.constant 0 : index
    %get3A_15 = arith.constant 0 : index
    %get3A_16 = vector.load %arg1[%get3A_13, %get3A_14, %get3A_15] : memref<2x1024x128xf32, #tpu.memory_space<vmem>>, vector<1x1024x128xf32>
    %get3A_17 = vector.shape_cast %get3A_16 : vector<1x1024x128xf32> to vector<1024x128xf32>
    %get3A_18 = arith.constant 1 : index
    %get3A_19 = arith.constant 0 : index
    %get3A_20 = arith.constant 0 : index
    %get3A_21 = vector.load %arg1[%get3A_18, %get3A_19, %get3A_20] : memref<2x1024x128xf32, #tpu.memory_space<vmem>>, vector<1x1024x128xf32>
    %get3A_22 = vector.shape_cast %get3A_21 : vector<1x1024x128xf32> to vector<1024x128xf32>
    %add3A_23 = arith.addf %get3A_17, %get3A_22 : vector<1024x128xf32>
    %get3A_24 = arith.constant 0 : index
    %get3A_25 = arith.constant 0 : index
    %get3A_26 = vector.load %arg2[%get3A_24, %get3A_25] : memref<1024x128xf32, #tpu.memory_space<vmem>>, vector<1024x128xf32>
    %add3A_27 = arith.addf %add3A_23, %get3A_26 : vector<1024x128xf32>
    %mul3A = vector.broadcast %rsqrt3A : vector<1024x1xf32> to vector<1024x128xf32>
    %mul3A_28 = arith.mulf %add3A_27, %mul3A : vector<1024x128xf32>
    %get3A_29 = arith.constant 0 : index
    %get3A_30 = arith.constant 0 : index
    %get3A_31 = vector.load %arg4[%get3A_29, %get3A_30] : memref<1x128xf32, #tpu.memory_space<vmem>>, vector<1x128xf32>
    %add3A_32 = vector.broadcast %get3A_31 : vector<1x128xf32> to vector<1024x128xf32>
    %add3A_33 = arith.addf %mul3A_28, %add3A_32 : vector<1024x128xf32>
    %swap3A = arith.constant 0 : index
    %swap3A_34 = arith.constant 0 : index
    %swap3A_35 = vector.load %arg5[%swap3A, %swap3A_34] : memref<1024x128xf32, #tpu.memory_space<vmem>>, vector<1024x128xf32>
    tpu.vector_store %arg5[%swap3A, %swap3A_34], %add3A_33 {strides = array<i32>} : memref<1024x128xf32, #tpu.memory_space<vmem>>, vector<1024x128xf32>,
    return
  }
  func.func @transform_0(%arg0: i32) -> (i32, i32, i32) {
    %c0_i32 = arith.constant 0 : i32
    %c0_i32_0 = arith.constant 0 : i32
    %c0_i32_1 = arith.constant 0 : i32
    return %c0_i32, %arg0, %c0_i32_0 : i32, i32, i32
  }
  func.func @transform_1(%arg0: i32) -> (i32, i32) {
    %c0_i32 = arith.constant 0 : i32
    %c0_i32_0 = arith.constant 0 : i32
    return %arg0, %c0_i32 : i32, i32
  }
  func.func @transform_2(%arg0: i32) -> (i32, i32, i32) {
    %c0_i32 = arith.constant 0 : i32
    %c0_i32_0 = arith.constant 0 : i32
    %c0_i32_1 = arith.constant 0 : i32
    return %c0_i32, %arg0, %c0_i32_0 : i32, i32, i32
  }
  func.func @transform_3(%arg0: i32) -> (i32, i32) {
    %c0_i32 = arith.constant 0 : i32
    %c0_i32_0 = arith.constant 0 : i32
    %c0_i32_1 = arith.constant 0 : i32
    return %c0_i32, %c0_i32_0 : i32, i32
  }
  func.func @transform_4(%arg0: i32) -> (i32, i32) {
    %c0_i32 = arith.constant 0 : i32
    %c0_i32_0 = arith.constant 0 : i32
    return %arg0, %c0_i32 : i32, i32
  }
}

</mosaic_0001>

<sc_bundles>
// kernel: kernel.11.cloned.1.call-start
scs
__scs_entry_jumppad:
0x0: {  	(pc) =	sbr.rel $0x88, $3  }
0x1: {  	(tag) =	ssettag $0x0;
	lr =	simm.s32 $0x1  }
0x2: {  	[smem:$0x3F99] =	sst lr;
	_ =	strace $0xD0000000  }
0x3: {  	_ = 	snop  }
0x4: {  	_ = 	snop  }
0x5: {  	_ = 	snop  }
0x6: {  	_ = 	snop  }
0x7: {  	_ = 	snop  }
__scs_overlays_trampoline_lowered:
0x8: {  	[smem:$0x3FA8] =	sst s0  }
0x9: {  	[smem:$0x3FA9] =	sst s1  }
0xa: {  	[smem:$0x3FAA] =	sst s2  }
0xb: {  	[smem:$0x3FAB] =	sst s3  }
0xc: {  	[smem:$0x3FAC] =	sst s4  }
0xd: {  	[smem:$0x3FAD] =	sst s5  }
0xe: {  	[smem:$0x3FAE] =	sst s6  }
0xf: {  	[smem:$0x3FAF] =	sst s7  }
0x10: {  	[smem:$0x3FB0] =	sst s8  }
0x11: {  	[smem:$0x3FB1] =	sst s9;
	s0 =	simm.s32 @!p0 $0x0  }
0x12: {  	s1 =	sld [smem:$0x3F97];
	s0 =	simm.s32 @p0 $0x1  }
0x13: {  	[smem:$0x3FB2] =	sst s0;
	s0 =	simm.s32 @!p1 $0x0  }
0x14: {  	s2 =	sld [smem:$0x3F96];
	s0 =	simm.s32 @p1 $0x1  }
0x15: {  	[smem:$0x3FB3] =	sst s0;
	s0 =	simm.s32 @!p2 $0x0  }
0x16: {  	s3 =	sld [smem:$0x3FDB];
	s0 =	simm.s32 @p2 $0x1  }
0x17: {  	s4 =	simm.s32 $0x1BF5;
	[smem:$0x3FB5] =	sst s0  }
0x18: {  	s0 =	sld [smem:$0x3F98];
	_ =	swait.ge [sflag:s4], $0x0  }
0x19: {  	s7 =	sld [smem:$0x3F99]  }
0x1a: {  	s8 =	sadd.s32 $0xFFFFE003, lr  }
0x1b: {  	s9 =	sadd.s32 $0xFFFFFEF7, lr;
	s5 =	simm.s32 $0xFFFFFFFF;
	p2 =	slt.u32 s8, $0xFFFFF086  }
0x1c: {  	p1 =	slt.u32 s9, $0xF7A;
	s5 =	simm.s32 @!p2 $0x0  }
0x1d: {  	s5 =	simm.s32 @p1 $0x1;
	p0 =	seq.s32 s7, s2  }
0x1e: {  	s7 =	smul.u32 @!p0 $0xF7A, s2;
	p2 =	seq.s32 @!p0 s5, $0x0  }
0x1f: {  	s9 =	smul.u32 $0xF7A, s1;
	s8 =	simm.s32 @!p0 $0x1BF5;
	p2 =	por !p2, p0  }
0x20: {  	[sflag:s8] =	ssyncset.s32 @!p0 $0xFFFFF086;
	s6 =	sadd.s32 @!p0 s3, s7;
	s7 =	simm.s32 @!p0 $0x108  }
0x21: {  	s3 =	sadd.s32 s3, s9;
	s6 =	sadd.s32 @!p0 $0x88, s6;
	s7 =	simm.s32 @p2 $0x1082  }
0x22: {  	[simem:s7], [sflag:s8] =	dma.local @!p0 [hbm:s6], $0xF7A  }
0x23: {  	s9 =	sor.u32 $0xD0000000, s2;
	s6 =	simm.s32 $0x108;
	_ =	swait.ge @!p0 [sflag:s8], $0x0  }
0x24: {  	s3 =	sadd.s32 $0x88, s3;
	s6 =	simm.s32 @!p1 $0x1082;
	[sflag:s4] =	ssyncset.s32 $0xFFFFF086  }
0x25: {  	[simem:s6], [sflag:s4] =	dma.local [hbm:s3], $0xF7A  }
0x26: {  	[smem:$0x3F99] =	sst s1;
	(tag) =	ssettag s2;
	_ =	strace s9  }
0x27: {  	s1 =	sld [smem:$0x3FA9]  }
0x28: {  	s2 =	sld [smem:$0x3FAA]  }
0x29: {  	s4 =	sld [smem:$0x3FAC]  }
0x2a: {  	p0 =	seq.s32 s5, $0x0;
	s5 =	sld [smem:$0x3FAD]  }
0x2b: {  	s6 =	sld [smem:$0x3FAE]  }
0x2c: {  	s7 =	sld [smem:$0x3FAF]  }
0x2d: {  	s3 =	simm.s32 $0x108;
	s8 =	sld [smem:$0x3FB0]  }
0x2e: {  	s3 =	simm.s32 @!p0 $0x1082;
	s9 =	sld [smem:$0x3FB1]  }
0x2f: {  	lr =	sadd.s32 s0, s3;
	s0 =	sld [smem:$0x3FA8]  }
0x30: {  	s3 =	sld [smem:$0x3FAB]  }
0x31: {  	[smem:$0x3FB4] =	sst s10  }
0x32: {  	s10 =	sld [smem:$0x3FB2];
	_ =	sdelay $0x3  }
0x33: {  	p0 =	seq.s32 s10, $0x1;
	s10 =	sld [smem:$0x3FB4];
	_ =	sdelay $0x3  }
0x34: {  	[smem:$0x3FB4] =	sst s10  }
0x35: {  	s10 =	sld [smem:$0x3FB3];
	_ =	sdelay $0x3  }
0x36: {  	p1 =	seq.s32 s10, $0x1;
	s10 =	sld [smem:$0x3FB4];
	_ =	sdelay $0x3  }
0x37: {  	[smem:$0x3FB4] =	sst s10  }
0x38: {  	s10 =	sld [smem:$0x3FB5]  }
0x39: {  	_ = 	snop;
	(pc) =	sbr.ind lr, $3  }
0x3a: {  	_ = 	snop  }
0x3b: {  	_ = 	snop  }
0x3c: {  	p2 =	seq.s32 s10, $0x1;
	s10 =	sld [smem:$0x3FB4]  }
0x3d: {  	_ =	shalt  }
0x3e: {  	_ =	shalt  }
0x3f: {  	_ =	shalt  }
0x40: {  	_ =	shalt  }
0x41: {  	_ =	shalt  }
0x42: {  	_ =	shalt  }
0x43: {  	_ =	shalt  }
0x44: {  	_ =	shalt  }
0x45: {  	_ =	shalt  }
0x46: {  	_ =	shalt  }
0x47: {  	_ =	shalt  }
0x48: {  	_ =	shalt  }
0x49: {  	_ =	shalt  }
0x4a: {  	_ =	shalt  }
0x4b: {  	_ =	shalt  }
0x4c: {  	_ =	shalt  }
0x4d: {  	_ =	shalt  }
0x4e: {  	_ =	shalt  }
0x4f: {  	_ =	shalt  }
0x50: {  	_ =	shalt  }
0x51: {  	_ =	shalt  }
0x52: {  	_ =	shalt  }
0x53: {  	_ =	shalt  }
0x54: {  	_ =	shalt  }
0x55: {  	_ =	shalt  }
0x56: {  	_ =	shalt  }
0x57: {  	_ =	shalt  }
0x58: {  	_ =	shalt  }
0x59: {  	_ =	shalt  }
0x5a: {  	_ =	shalt  }
0x5b: {  	_ =	shalt  }
0x5c: {  	_ =	shalt  }
0x5d: {  	_ =	shalt  }
0x5e: {  	_ =	shalt  }
0x5f: {  	_ =	shalt  }
0x60: {  	_ =	shalt  }
0x61: {  	_ =	shalt  }
0x62: {  	_ =	shalt  }
0x63: {  	_ =	shalt  }
0x64: {  	_ =	shalt  }
0x65: {  	_ =	shalt  }
0x66: {  	_ =	shalt  }
0x67: {  	_ =	shalt  }
0x68: {  	_ =	shalt  }
0x69: {  	_ =	shalt  }
0x6a: {  	_ =	shalt  }
0x6b: {  	_ =	shalt  }
0x6c: {  	_ =	shalt  }
0x6d: {  	_ =	shalt  }
0x6e: {  	_ =	shalt  }
0x6f: {  	_ =	shalt  }
0x70: {  	_ =	shalt  }
0x71: {  	_ =	shalt  }
0x72: {  	_ =	shalt  }
0x73: {  	_ =	shalt  }
0x74: {  	_ =	shalt  }
0x75: {  	_ =	shalt  }
0x76: {  	_ =	shalt  }
0x77: {  	_ =	shalt  }
0x78: {  	_ =	shalt  }
0x79: {  	_ =	shalt  }
0x7a: {  	_ =	shalt  }
0x7b: {  	_ =	shalt  }
0x7c: {  	_ =	shalt  }
0x7d: {  	_ =	shalt  }
0x7e: {  	_ =	shalt  }
0x7f: {  	_ =	shalt  }
0x80: {  	_ =	shalt  }
0x81: {  	_ =	shalt  }
0x82: {  	_ =	shalt  }
0x83: {  	_ =	shalt  }
0x84: {  	_ =	shalt  }
0x85: {  	_ =	shalt  }
0x86: {  	_ =	shalt  }
0x87: {  	_ =	shalt  }
.Lfunc_end0:
.L_simem_size_0:
called_computation.1_lowered:
.L_overlay_start_0:
0x88: {  	s2 =	sld [smem:$0x3FD9]  }
0x89: {  	s3 =	sld [smem:$0x3FFE];
	_ =	sdelay $0x1  }
0x8a: {  	s1 =	srdreg.scid  }
0x8b: {  	s0 =	sand.u32 $0x1, s1  }
0x8c: {  	s14 =	sshll.u32 s0, $0xA;
	s2 =	sadd.s32 s3, s2  }
0x8d: {  	s2 =	sadd.s32 s2, s14  }
0x8e: {  	[smem:$0x3FC0] =	sst s2  }
0x8f: {  	_ = 	snop  }
0x90: {  	s2 =	sld [smem:$0x3FD0];
	_ =	sdelay $0x2  }
0x91: {  	s15 =	simm.s32 $0xA;
	s4 =	simm.s32 $0x10  }
0x92: {  	[smem:s4], [sflag:s15] =	dma.local [hbm:s2], $0x1  }
0x93: {  	_ =	swait.eq [sflag:s15], $0x1  }
0x94: {  	[sflag:s15] =	ssyncset.done $0x0  }
0x95: {  	s16 =	sld [smem:$0x10];
	[sflag:s15] =	ssyncadd.s32 $0xFFFFFFFF  }
0x96: {  	s17 =	sld [smem:$0x11];
	(tm) =	ssettm $0x1  }
0x97: {  	s18 =	sld [smem:$0x3FFB];
	_ =	sdelay $0x3  }
0x98: {  	_ =	strace s18  }
0x99: {  	s4 =	sld [smem:$0x3FFC];
	_ =	sdelay $0x3  }
0x9a: {  	_ =	strace s4  }
0x9b: {  	s4 =	sld [smem:$0x3FFD];
	_ =	sdelay $0x3  }
0x9c: {  	_ =	strace s4  }
0x9d: {  	_ =	strace $0x8FFFFFFF  }
0x9e: {  	s19 =	sld [smem:$0x3FDB];
	_ =	sdelay $0x1  }
0x9f: {  	s5 =	simm.s32 $_scs_section_size  }
0xa0: {  	s6 =	simm.s32 $_size__tile_overlayer_lowered;
	s7 =	simm.s32 $_tile_overlayer_lowered  }
0xa1: {  	s22 =	simm.s32 $0x1BFF;
	s21 =	sshll.u32 s7, $0x1;
	s4 =	sadd.s32 s5, s19  }
0xa2: {  	s8 =	simm.s32 $0x0;
	s20 =	sshll.u32 s6, $0x1;
	s6 =	sadd.s32 s21, s4  }
0xa3: {  	[timem:s8], [sflag:s22] =	dma.local [hbm:s6], s20  }
0xa4: {  	_ =	swait.ge [sflag:s22], s20  }
0xa5: {  	s5 =	ssub.s32 $0x0, s20;
	[sflag:s22] =	ssyncset.done $0x0  }
0xa6: {  	[sflag:s22] =	ssyncadd.s32 s5;
	_ =	sdelay $0x1  }
0xa7: {  	s23 =	simm.s32 $0x1B8B  }
0xa8: {  	_ =	swait.ge [sflag:s23], $0x1  }
0xa9: {  	[sflag:s23] =	ssyncset.done $0x0  }
0xaa: {  	s25 =	simm.s32 $0x1B8E;
	s24 =	sld [smem:$0x3FFE];
	[sflag:s23] =	ssyncadd.s32 $0xFFFFFFFF  }
0xab: {  	s26 =	simm.s32 $execute0_lowered;
	[smem:$0x3FD2] =	sst s25  }
0xac: {  	s6 =	sshll.u32 s26, $0x1;
	_ =	strace $0x80000049;
	[dreg:$0x1] =	wrdreg $0xFFFFFFFF  }
0xad: {  	s28 =	simm.s32 $_size_execute0_lowered;
	s4 =	sadd.s32 s4, s6;
	[dreg:$0x0] =	wrdreg $0x0  }
0xae: {  	s6 =	sshll.u32 s28, $0x1;
	[dreg:$0x2] =	wrdreg s4  }
0xaf: {  	[dreg:$0x3] =	wrdreg s6  }
0xb0: {  	[dreg:$0x4] =	wrdreg $0xC0  }
0xb1: {  	_ =	task [dreg:s8], $0x5FFFF  }
0xb2: {  	[dreg:$0x1] =	wrdreg $0xFFFFFFFF  }
0xb3: {  	[dreg:$0x0] =	wrdreg $0x60  }
0xb4: {  	[dreg:$0x2] =	wrdreg s24  }
0xb5: {  	[dreg:$0x3] =	wrdreg s16  }
0xb6: {  	[dreg:$0x4] =	wrdreg s17  }
0xb7: {  	[dreg:$0x5] =	wrdreg $0x68000  }
0xb8: {  	[dreg:$0x6] =	wrdreg $0x9  }
0xb9: {  	_ =	task.clear_ibuf [dreg:s8], $0x7FFFF;
	_ =	strace $0x90000049  }
0xba: {  	s29 =	simm.s32 $0x9;
	_ =	strace $0x8000004B  }
0xbb: {  	_ =	swait.ge [sflag:s29], $0x1  }
0xbc: {  	[sflag:s29] =	ssyncadd.s32 $0xFFFFFFFF  }
0xbd: {  	_ =	strace $0x9000004B  }
0xbe: {  	_ =	sfence  }
0xbf: {  	s30 =	sld [smem:$0x0];
	_ =	sdelay $0x2  }
0xc0: {  	s31 =	sshll.u32 s1, $0xD;
	s1 =	sshrl.u32 s1, $0x2  }
0xc1: {  	s3 =	sand.u32 $0x4000, s31;
	s1 =	sadd.s32 s1, s30  }
0xc2: {  	s0 =	sor.u32 s3, s0;
	s1 =	sshll.u32 s1, $0x11  }
0xc3: {  	s0 =	sor.u32 s1, s0  }
0xc4: {  	s0 =	sadd.s32 $0x8F2B, s0  }
0xc5: {  	[sflag:s0] =	ssyncadd.remote.s32 $0x1  }
0xc6: {  	_ =	sfence.sel $0xFFFF  }
0xc7: {  	[dreg:$0x0] =	wrdreg $0xFFFFFFFF;
	(pc) =	sbr.abs _section_cstart, $3  }
0xc8: {  	[dreg:$0x1] =	wrdreg $0xFFFFFFFF  }
0xc9: {  	_ =	task.clear_ibuf [dreg:s8], $0x2FFFF;
	_ =	strace $0x9FFFFFFF  }
0xca: {  	(tm) =	ssettm $0x7FFFFFFF  }
0xcb: {  	_ =	shalt  }
tec
execute0_lowered:
.L_overlay_start_1:
0x0: {  	(tag) =	ssettag $0x1  }
0x1: {  	s6 =	rddreg [dreg:$0x0]  }
0x2: {  	s11 =	rddreg [dreg:$0x1]  }
0x3: {  	s12 =	rddreg [dreg:$0x2]  }
0x4: {  	s1 =	rddreg [dreg:$0x3]  }
0x5: {  	s2 =	srdreg.scid;
	s0 =	rddreg [dreg:$0x4];
	s3 =	simm.s32 $0x0  }
0x6: {  	s15 =	simm.s32 $0x1400;
	s16 =	simm.s32 $0x80;
	s17 =	simm.s32 $0x2800  }
0x7: {  	s18 =	simm.s32 $0x0;
	s7 =	sand.u32 $0x1, s2;
	s2 =	stileid.u32  }
0x8: {  	[smem:$0x7FF] =	sst s3;
	s4 =	sadd.s32 $0x55800, s6;
	s8 =	smul.u32 $0x140000, s7  }
0x9: {  	s5 =	sadd.s32 $0x2800, s6;
	s9 =	smul.u32 $0x14000, s2;
	_ =	strace $0x8000004A  }
0xa: {  	s25 =	sshll.u32 s7, $0x4;
	s10 =	smul.u32 $0x50000, s2;
	s26 =	ssub.s32 $0x2, s7  }
0xb: {  	s30 =	sshll.u32 s2, $0x6;
	s28 =	sor.u32 s2, s25;
	s29 =	sshrl.u32 s26, $0x1  }
0xc: {  	s8 =	sadd.s32 s9, s8;
	s10 =	sshrl.u32 s10, $0x2;
	s13 =	smul.u32 $0x2800, s28  }
0xd: {  	s9 =	ssub.s32 s26, s29;
	s8 =	sshrl.u32 s8, $0x3;
	s14 =	sadd.s32 s10, s1  }
0xe: {  	s8 =	sadd.s32 s8, s6;
	s6 =	sor.u32 $0x1C01, s30;
	s31 =	sshrl.u32 s13, $0x3  }
0xf: {  	s7 =	sadd.s32 $0x7D800, s8;
	s8 =	smax.u32 s9, $0x1;
	s13 =	sadd.s32 $0x280, s31  }
0x10: {  	s9 =	sadd.s32 s11, s31;
	s10 =	sadd.s32 s12, s31;
	s11 =	sadd.s32 s11, s13  }
0x11: {  	s12 =	sadd.s32 s12, s13;
	s13 =	sshrl.u32 s14, $0x3;
	s14 =	simm.s32 $0x1  }
.LBB2_1:
0x12: {  	[spmem:s13], [sflag:s6] =	dma.local [hbm:s5], $0x2800  }
0x13: {  	_ =	swait.ge [sflag:s14], $0x2800  }
0x14: {  	[sflag:s14] =	ssyncset.done $0x0  }
0x15: {  	[sflag:s14] =	ssyncadd.s32 $0xFFFFD800  }
0x16: {  	[bflag:$0x0] =	sbarrier.arrive $0xFFFF  }
0x17: {  	[tilespmem:s3], [sflag:$0x1] =	stream.linear.gather [hbm4b:s9+s3], $0x1400, $0x38;
	[tilespmem:$0x1A800] =	vst v63  }
0x18: {  	_ =	swait.ge [sflag:s14], $0x1400  }
0x19: {  	[sflag:s14] =	ssyncset.done $0x0  }
0x1a: {  	[sflag:s14] =	ssyncadd.s32 $0xFFFFEC00  }
0x1b: {  	[tilespmem:s15], [sflag:$0x1] =	stream.linear.gather [hbm4b:s10+s3], $0x1400, $0x38;
	[tilespmem:$0x1A800] =	vst v63  }
0x1c: {  	_ =	swait.ge [sflag:s14], $0x1400  }
0x1d: {  	[sflag:s14] =	ssyncset.done $0x0  }
0x1e: {  	s19 =	simm.s32 $0x0;
	[sflag:s14] =	ssyncadd.s32 $0xFFFFEC00  }
0x1f: {  	[tilespmem:s17], [sflag:$0x1] =	stream.indirect.gather [hbm4b:s4+s16], $0x80, s19, s16, $0xb8;
	[tilespmem:$0x1A800] =	vst v63  }
0x20: {  	_ =	swait.ge [sflag:s14], $0x4000  }
0x21: {  	[sflag:s14] =	ssyncset.done $0x0  }
0x22: {  	s31 =	simm.s32 $0x1400;
	[sflag:s14] =	ssyncadd.s32 $0xFFFFC000  }
0x23: {  	[spmem:s1] =	stream.indirect.scatter.add.f32 [tilespmem:s17], [sflag:$0x1], $0x80, s31, s16, $0xb8;
	[tilespmem:$0x1A800] =	vst v63  }
0x24: {  	_ =	swait.ge [sflag:s14], $0x4000  }
0x25: {  	s20 =	simm.s32 $0x400;
	s19 =	simm.s32 $0x200;
	[sflag:s14] =	ssyncset.done $0x0  }
.LBB2_2:
0x26: {  	s21 =	sshra.s32 s19, $0x2  }
0x27: {  	[sflag:s14] =	ssyncadd.s32 $0xFFFFC000;
	s19 =	smov.u32 s20;
	s22 =	sadd.s32 $0x200, s20  }
0x28: {  	[tilespmem:s17], [sflag:$0x1] =	stream.indirect.gather [hbm4b:s4+s16], $0x80, s21, s16, $0xb8;
	[tilespmem:$0x1A800] =	vst v63  }
0x29: {  	p0 =	sne.s32 s20, $0x4E00;
	_ =	swait.ge [sflag:s14], $0x4000  }
.Ltmp0:
0x2a: {  	[sflag:s14] =	ssyncset.done $0x0;
	(pc) =	sbr.rel @p0 .LBB2_2-.Ltmp0, $4  }
0x2b: {  	s20 =	sadd.s32 $0x1400, s21;
	[sflag:s14] =	ssyncadd.s32 $0xFFFFC000  }
0x2c: {  	[spmem:s1] =	stream.indirect.scatter.add.f32 [tilespmem:s17], [sflag:$0x1], $0x80, s20, s16, $0xb8;
	[tilespmem:$0x1A800] =	vst v63  }
0x2d: {  	_ =	swait.ge [sflag:s14], $0x4000  }
0x2e: {  	s20 =	smov.u32 s22;
	[sflag:s14] =	ssyncset.done $0x0  }
0x2f: {  	s19 =	sshra.s32 s19, $0x2;
	[sflag:s14] =	ssyncadd.s32 $0xFFFFC000  }
0x30: {  	[tilespmem:s17], [sflag:$0x1] =	stream.indirect.gather [hbm4b:s4+s16], $0x80, s19, s16, $0xb8;
	[tilespmem:$0x1A800] =	vst v63  }
0x31: {  	_ =	swait.ge [sflag:s14], $0x4000  }
0x32: {  	[sflag:s14] =	ssyncset.done $0x0  }
0x33: {  	s19 =	sadd.s32 $0x1400, s19;
	[sflag:s14] =	ssyncadd.s32 $0xFFFFC000  }
0x34: {  	[spmem:s1] =	stream.indirect.scatter.add.f32 [tilespmem:s17], [sflag:$0x1], $0x80, s19, s16, $0xb8;
	[tilespmem:$0x1A800] =	vst v63  }
0x35: {  	_ =	swait.ge [sflag:s14], $0x4000  }
0x36: {  	[sflag:s14] =	ssyncset.done $0x0  }
0x37: {  	s29 =	simm.s32 $0x0;
	[sflag:s14] =	ssyncadd.s32 $0xFFFFC000  }
0x38: {  	[tilespmem:s29], [sflag:$0x1] =	stream.linear.gather [hbm4b:s11+s29], $0x1400, $0x38;
	[tilespmem:$0x1A800] =	vst v63  }
0x39: {  	_ =	swait.ge [sflag:s14], $0x1400  }
0x3a: {  	[sflag:s14] =	ssyncset.done $0x0  }
0x3b: {  	[sflag:s14] =	ssyncadd.s32 $0xFFFFEC00  }
0x3c: {  	[tilespmem:s15], [sflag:$0x1] =	stream.linear.gather [hbm4b:s12+s29], $0x1400, $0x38;
	[tilespmem:$0x1A800] =	vst v63  }
0x3d: {  	_ =	swait.ge [sflag:s14], $0x1400  }
0x3e: {  	[sflag:s14] =	ssyncset.done $0x0  }
0x3f: {  	s30 =	simm.s32 $0x0;
	[sflag:s14] =	ssyncadd.s32 $0xFFFFEC00  }
0x40: {  	[tilespmem:s17], [sflag:$0x1] =	stream.indirect.gather [hbm4b:s4+s16], $0x80, s30, s16, $0xb8;
	[tilespmem:$0x1A800] =	vst v63  }
0x41: {  	_ =	swait.ge [sflag:s14], $0x4000  }
0x42: {  	[sflag:s14] =	ssyncset.done $0x0  }
0x43: {  	s31 =	simm.s32 $0x1400;
	[sflag:s14] =	ssyncadd.s32 $0xFFFFC000  }
0x44: {  	[spmem:s1] =	stream.indirect.scatter.add.f32 [tilespmem:s17], [sflag:$0x1], $0x80, s31, s16, $0xb8;
	[tilespmem:$0x1A800] =	vst v63  }
0x45: {  	_ =	swait.ge [sflag:s14], $0x4000  }
0x46: {  	s20 =	simm.s32 $0x400;
	s19 =	simm.s32 $0x200;
	[sflag:s14] =	ssyncset.done $0x0  }
.LBB2_4:
0x47: {  	s21 =	sshra.s32 s19, $0x2  }
0x48: {  	[sflag:s14] =	ssyncadd.s32 $0xFFFFC000;
	s19 =	smov.u32 s20;
	s22 =	sadd.s32 $0x200, s20  }
0x49: {  	[tilespmem:s17], [sflag:$0x1] =	stream.indirect.gather [hbm4b:s4+s16], $0x80, s21, s16, $0xb8;
	[tilespmem:$0x1A800] =	vst v63  }
0x4a: {  	p0 =	sne.s32 s20, $0x4E00;
	_ =	swait.ge [sflag:s14], $0x4000  }
.Ltmp1:
0x4b: {  	[sflag:s14] =	ssyncset.done $0x0;
	(pc) =	sbr.rel @p0 .LBB2_4-.Ltmp1, $4  }
0x4c: {  	s20 =	sadd.s32 $0x1400, s21;
	[sflag:s14] =	ssyncadd.s32 $0xFFFFC000  }
0x4d: {  	[spmem:s1] =	stream.indirect.scatter.add.f32 [tilespmem:s17], [sflag:$0x1], $0x80, s20, s16, $0xb8;
	[tilespmem:$0x1A800] =	vst v63  }
0x4e: {  	_ =	swait.ge [sflag:s14], $0x4000  }
0x4f: {  	s20 =	smov.u32 s22;
	[sflag:s14] =	ssyncset.done $0x0  }
0x50: {  	s19 =	sshra.s32 s19, $0x2;
	[sflag:s14] =	ssyncadd.s32 $0xFFFFC000  }
0x51: {  	[tilespmem:s17], [sflag:$0x1] =	stream.indirect.gather [hbm4b:s4+s16], $0x80, s19, s16, $0xb8;
	[tilespmem:$0x1A800] =	vst v63  }
0x52: {  	_ =	swait.ge [sflag:s14], $0x4000  }
0x53: {  	[sflag:s14] =	ssyncset.done $0x0  }
0x54: {  	s19 =	sadd.s32 $0x1400, s19;
	[sflag:s14] =	ssyncadd.s32 $0xFFFFC000  }
0x55: {  	[spmem:s1] =	stream.indirect.scatter.add.f32 [tilespmem:s17], [sflag:$0x1], $0x80, s19, s16, $0xb8;
	[tilespmem:$0x1A800] =	vst v63  }
0x56: {  	_ =	swait.ge [sflag:s14], $0x4000  }
0x57: {  	s18 =	sadd.s32 $0x1, s18;
	[sflag:s14] =	ssyncset.done $0x0  }
0x58: {  	p0 =	sne.s32 s18, s8;
	[sflag:s14] =	ssyncadd.s32 $0xFFFFC000  }
.Ltmp2:
0x59: {  	[bflag:$0x0] =	sbarrier.arrive $0xFFFF;
	(pc) =	sbr.rel @p0 .LBB2_1-.Ltmp2, $4  }
0x5a: {  	[hbm:s7], [sflag:s6] =	dma.local [spmem:s13], $0x2800  }
0x5b: {  	_ =	swait.ge [sflag:s14], $0x2800  }
0x5c: {  	[sflag:s14] =	ssyncset.done $0x0  }
0x5d: {  	[sflag:s14] =	ssyncadd.s32 $0xFFFFD800  }
0x5e: {  	_ =	sfence.sel $0x180000  }
0x5f: {  	[bflag:$0x0] =	sbarrier.arrive $0xFFFF  }
0x60: {  	p0 =	sne.s32 s2, $0x0;
	_ =	strace $0x9000004A  }
0x61: {  	s0 =	sadd.s32 @!p0 $0x100000, s0;
	[bflag:$0x2] =	sbarrier.arrive $0xFFFF  }
0x62: {  	[sflag:s0] =	ssyncadd.tile.s32 @!p0 $0x1;
	_ =	shalt  }
.Lfunc_end2:
_tile_overlayer_lowered:
.L_overlay_start_2:
0x63: {  	(tag) =	ssettag $0x2  }
0x64: {  	s0 =	rddreg [dreg:$0x0];
	s2 =	stileid.u32  }
0x65: {  	s1 =	rddreg [dreg:$0x1];
	p0 =	sne.s32 s2, $0x0  }
0x66: {  	s3 =	rddreg [dreg:$0x2];
	[bflag:$0x3] =	sbarrier.arrive $0xFFFF;
	s2 =	simm.s32 @!p0 $0x1C01  }
0x67: {  	[timem:s3], [sflag:s2] =	dma.local @!p0 [hbm:s0], s1  }
0x68: {  	s0 =	simm.s32 @!p0 $0x1  }
0x69: {  	_ =	swait.ge @!p0 [sflag:s0], s1  }
0x6a: {  	s1 =	ssub.s32 @!p0 $0x0, s1;
	[sflag:s0] =	ssyncset.done @!p0 $0x0  }
0x6b: {  	[sflag:s0] =	ssyncadd.s32 @!p0 s1  }
0x6c: {  	[bflag:$0x3] =	sbarrier.arrive $0xFFFF  }
0x6d: {  	_ =	shalt  }

// kernel: kernel.14.cloned.1.call-start
scs
__scs_entry_jumppad:
0x0: {  	(pc) =	sbr.rel $0x88, $3  }
0x1: {  	(tag) =	ssettag $0x0;
	lr =	simm.s32 $0x1  }
0x2: {  	[smem:$0x3F99] =	sst lr;
	_ =	strace $0xD0000000  }
0x3: {  	_ = 	snop  }
0x4: {  	_ = 	snop  }
0x5: {  	_ = 	snop  }
0x6: {  	_ = 	snop  }
0x7: {  	_ = 	snop  }
__scs_overlays_trampoline_lowered:
0x8: {  	[smem:$0x3FA8] =	sst s0  }
0x9: {  	[smem:$0x3FA9] =	sst s1  }
0xa: {  	[smem:$0x3FAA] =	sst s2  }
0xb: {  	[smem:$0x3FAB] =	sst s3  }
0xc: {  	[smem:$0x3FAC] =	sst s4  }
0xd: {  	[smem:$0x3FAD] =	sst s5  }
0xe: {  	[smem:$0x3FAE] =	sst s6  }
0xf: {  	[smem:$0x3FAF] =	sst s7  }
0x10: {  	[smem:$0x3FB0] =	sst s8  }
0x11: {  	[smem:$0x3FB1] =	sst s9;
	s0 =	simm.s32 @!p0 $0x0  }
0x12: {  	s1 =	sld [smem:$0x3F97];
	s0 =	simm.s32 @p0 $0x1  }
0x13: {  	[smem:$0x3FB2] =	sst s0;
	s0 =	simm.s32 @!p1 $0x0  }
0x14: {  	s2 =	sld [smem:$0x3F96];
	s0 =	simm.s32 @p1 $0x1  }
0x15: {  	[smem:$0x3FB3] =	sst s0;
	s0 =	simm.s32 @!p2 $0x0  }
0x16: {  	s3 =	sld [smem:$0x3FDB];
	s0 =	simm.s32 @p2 $0x1  }
0x17: {  	s4 =	simm.s32 $0x1BF5;
	[smem:$0x3FB5] =	sst s0  }
0x18: {  	s0 =	sld [smem:$0x3F98];
	_ =	swait.ge [sflag:s4], $0x0  }
0x19: {  	s7 =	sld [smem:$0x3F99]  }
0x1a: {  	s8 =	sadd.s32 $0xFFFFE003, lr  }
0x1b: {  	s9 =	sadd.s32 $0xFFFFFEF7, lr;
	s5 =	simm.s32 $0xFFFFFFFF;
	p2 =	slt.u32 s8, $0xFFFFF086  }
0x1c: {  	p1 =	slt.u32 s9, $0xF7A;
	s5 =	simm.s32 @!p2 $0x0  }
0x1d: {  	s5 =	simm.s32 @p1 $0x1;
	p0 =	seq.s32 s7, s2  }
0x1e: {  	s7 =	smul.u32 @!p0 $0xF7A, s2;
	p2 =	seq.s32 @!p0 s5, $0x0  }
0x1f: {  	s9 =	smul.u32 $0xF7A, s1;
	s8 =	simm.s32 @!p0 $0x1BF5;
	p2 =	por !p2, p0  }
0x20: {  	[sflag:s8] =	ssyncset.s32 @!p0 $0xFFFFF086;
	s6 =	sadd.s32 @!p0 s3, s7;
	s7 =	simm.s32 @!p0 $0x108  }
0x21: {  	s3 =	sadd.s32 s3, s9;
	s6 =	sadd.s32 @!p0 $0x88, s6;
	s7 =	simm.s32 @p2 $0x1082  }
0x22: {  	[simem:s7], [sflag:s8] =	dma.local @!p0 [hbm:s6], $0xF7A  }
0x23: {  	s9 =	sor.u32 $0xD0000000, s2;
	s6 =	simm.s32 $0x108;
	_ =	swait.ge @!p0 [sflag:s8], $0x0  }
0x24: {  	s3 =	sadd.s32 $0x88, s3;
	s6 =	simm.s32 @!p1 $0x1082;
	[sflag:s4] =	ssyncset.s32 $0xFFFFF086  }
0x25: {  	[simem:s6], [sflag:s4] =	dma.local [hbm:s3], $0xF7A  }
0x26: {  	[smem:$0x3F99] =	sst s1;
	(tag) =	ssettag s2;
	_ =	strace s9  }
0x27: {  	s1 =	sld [smem:$0x3FA9]  }
0x28: {  	s2 =	sld [smem:$0x3FAA]  }
0x29: {  	s4 =	sld [smem:$0x3FAC]  }
0x2a: {  	p0 =	seq.s32 s5, $0x0;
	s5 =	sld [smem:$0x3FAD]  }
0x2b: {  	s6 =	sld [smem:$0x3FAE]  }
0x2c: {  	s7 =	sld [smem:$0x3FAF]  }
0x2d: {  	s3 =	simm.s32 $0x108;
	s8 =	sld [smem:$0x3FB0]  }
0x2e: {  	s3 =	simm.s32 @!p0 $0x1082;
	s9 =	sld [smem:$0x3FB1]  }
0x2f: {  	lr =	sadd.s32 s0, s3;
	s0 =	sld [smem:$0x3FA8]  }
0x30: {  	s3 =	sld [smem:$0x3FAB]  }
0x31: {  	[smem:$0x3FB4] =	sst s10  }
0x32: {  	s10 =	sld [smem:$0x3FB2];
	_ =	sdelay $0x3  }
0x33: {  	p0 =	seq.s32 s10, $0x1;
	s10 =	sld [smem:$0x3FB4];
	_ =	sdelay $0x3  }
0x34: {  	[smem:$0x3FB4] =	sst s10  }
0x35: {  	s10 =	sld [smem:$0x3FB3];
	_ =	sdelay $0x3  }
0x36: {  	p1 =	seq.s32 s10, $0x1;
	s10 =	sld [smem:$0x3FB4];
	_ =	sdelay $0x3  }
0x37: {  	[smem:$0x3FB4] =	sst s10  }
0x38: {  	s10 =	sld [smem:$0x3FB5]  }
0x39: {  	_ = 	snop;
	(pc) =	sbr.ind lr, $3  }
0x3a: {  	_ = 	snop  }
0x3b: {  	_ = 	snop  }
0x3c: {  	p2 =	seq.s32 s10, $0x1;
	s10 =	sld [smem:$0x3FB4]  }
0x3d: {  	_ =	shalt  }
0x3e: {  	_ =	shalt  }
0x3f: {  	_ =	shalt  }
0x40: {  	_ =	shalt  }
0x41: {  	_ =	shalt  }
0x42: {  	_ =	shalt  }
0x43: {  	_ =	shalt  }
0x44: {  	_ =	shalt  }
0x45: {  	_ =	shalt  }
0x46: {  	_ =	shalt  }
0x47: {  	_ =	shalt  }
0x48: {  	_ =	shalt  }
0x49: {  	_ =	shalt  }
0x4a: {  	_ =	shalt  }
0x4b: {  	_ =	shalt  }
0x4c: {  	_ =	shalt  }
0x4d: {  	_ =	shalt  }
0x4e: {  	_ =	shalt  }
0x4f: {  	_ =	shalt  }
0x50: {  	_ =	shalt  }
0x51: {  	_ =	shalt  }
0x52: {  	_ =	shalt  }
0x53: {  	_ =	shalt  }
0x54: {  	_ =	shalt  }
0x55: {  	_ =	shalt  }
0x56: {  	_ =	shalt  }
0x57: {  	_ =	shalt  }
0x58: {  	_ =	shalt  }
0x59: {  	_ =	shalt  }
0x5a: {  	_ =	shalt  }
0x5b: {  	_ =	shalt  }
0x5c: {  	_ =	shalt  }
0x5d: {  	_ =	shalt  }
0x5e: {  	_ =	shalt  }
0x5f: {  	_ =	shalt  }
0x60: {  	_ =	shalt  }
0x61: {  	_ =	shalt  }
0x62: {  	_ =	shalt  }
0x63: {  	_ =	shalt  }
0x64: {  	_ =	shalt  }
0x65: {  	_ =	shalt  }
0x66: {  	_ =	shalt  }
0x67: {  	_ =	shalt  }
0x68: {  	_ =	shalt  }
0x69: {  	_ =	shalt  }
0x6a: {  	_ =	shalt  }
0x6b: {  	_ =	shalt  }
0x6c: {  	_ =	shalt  }
0x6d: {  	_ =	shalt  }
0x6e: {  	_ =	shalt  }
0x6f: {  	_ =	shalt  }
0x70: {  	_ =	shalt  }
0x71: {  	_ =	shalt  }
0x72: {  	_ =	shalt  }
0x73: {  	_ =	shalt  }
0x74: {  	_ =	shalt  }
0x75: {  	_ =	shalt  }
0x76: {  	_ =	shalt  }
0x77: {  	_ =	shalt  }
0x78: {  	_ =	shalt  }
0x79: {  	_ =	shalt  }
0x7a: {  	_ =	shalt  }
0x7b: {  	_ =	shalt  }
0x7c: {  	_ =	shalt  }
0x7d: {  	_ =	shalt  }
0x7e: {  	_ =	shalt  }
0x7f: {  	_ =	shalt  }
0x80: {  	_ =	shalt  }
0x81: {  	_ =	shalt  }
0x82: {  	_ =	shalt  }
0x83: {  	_ =	shalt  }
0x84: {  	_ =	shalt  }
0x85: {  	_ =	shalt  }
0x86: {  	_ =	shalt  }
0x87: {  	_ =	shalt  }
.Lfunc_end0:
.L_simem_size_0:
called_computation.2_lowered:
.L_overlay_start_0:
0x88: {  	s2 =	sld [smem:$0x3FD9]  }
0x89: {  	s3 =	sld [smem:$0x3FFE];
	_ =	sdelay $0x1  }
0x8a: {  	s1 =	srdreg.scid  }
0x8b: {  	s0 =	sand.u32 $0x1, s1  }
0x8c: {  	s14 =	sshll.u32 s0, $0xA;
	s2 =	sadd.s32 s3, s2  }
0x8d: {  	s2 =	sadd.s32 s2, s14  }
0x8e: {  	[smem:$0x3FC0] =	sst s2  }
0x8f: {  	_ = 	snop  }
0x90: {  	s2 =	sld [smem:$0x3FD0];
	_ =	sdelay $0x2  }
0x91: {  	s15 =	simm.s32 $0xA;
	s4 =	simm.s32 $0x10  }
0x92: {  	[smem:s4], [sflag:s15] =	dma.local [hbm:s2], $0x1  }
0x93: {  	_ =	swait.eq [sflag:s15], $0x1  }
0x94: {  	[sflag:s15] =	ssyncset.done $0x0  }
0x95: {  	s16 =	sld [smem:$0x10];
	[sflag:s15] =	ssyncadd.s32 $0xFFFFFFFF  }
0x96: {  	s17 =	sld [smem:$0x11];
	(tm) =	ssettm $0x1  }
0x97: {  	s18 =	sld [smem:$0x3FFB];
	_ =	sdelay $0x3  }
0x98: {  	_ =	strace s18  }
0x99: {  	s4 =	sld [smem:$0x3FFC];
	_ =	sdelay $0x3  }
0x9a: {  	_ =	strace s4  }
0x9b: {  	s4 =	sld [smem:$0x3FFD];
	_ =	sdelay $0x3  }
0x9c: {  	_ =	strace s4  }
0x9d: {  	_ =	strace $0x8FFFFFFF  }
0x9e: {  	s19 =	sld [smem:$0x3FDB];
	_ =	sdelay $0x1  }
0x9f: {  	s5 =	simm.s32 $_scs_section_size  }
0xa0: {  	s6 =	simm.s32 $_size__tile_overlayer_lowered;
	s7 =	simm.s32 $_tile_overlayer_lowered  }
0xa1: {  	s22 =	simm.s32 $0x1BFF;
	s21 =	sshll.u32 s7, $0x1;
	s4 =	sadd.s32 s5, s19  }
0xa2: {  	s8 =	simm.s32 $0x0;
	s20 =	sshll.u32 s6, $0x1;
	s6 =	sadd.s32 s21, s4  }
0xa3: {  	[timem:s8], [sflag:s22] =	dma.local [hbm:s6], s20  }
0xa4: {  	_ =	swait.ge [sflag:s22], s20  }
0xa5: {  	s5 =	ssub.s32 $0x0, s20;
	[sflag:s22] =	ssyncset.done $0x0  }
0xa6: {  	[sflag:s22] =	ssyncadd.s32 s5;
	_ =	sdelay $0x1  }
0xa7: {  	s23 =	simm.s32 $0x1B8B  }
0xa8: {  	_ =	swait.ge [sflag:s23], $0x1  }
0xa9: {  	[sflag:s23] =	ssyncset.done $0x0  }
0xaa: {  	s25 =	simm.s32 $0x1B8E;
	s24 =	sld [smem:$0x3FFE];
	[sflag:s23] =	ssyncadd.s32 $0xFFFFFFFF  }
0xab: {  	s26 =	simm.s32 $execute0_lowered;
	[smem:$0x3FD2] =	sst s25  }
0xac: {  	s6 =	sshll.u32 s26, $0x1;
	_ =	strace $0x8000004C;
	[dreg:$0x1] =	wrdreg $0xFFFFFFFF  }
0xad: {  	s28 =	simm.s32 $_size_execute0_lowered;
	s4 =	sadd.s32 s4, s6;
	[dreg:$0x0] =	wrdreg $0x0  }
0xae: {  	s6 =	sshll.u32 s28, $0x1;
	[dreg:$0x2] =	wrdreg s4  }
0xaf: {  	[dreg:$0x3] =	wrdreg s6  }
0xb0: {  	[dreg:$0x4] =	wrdreg $0xC0  }
0xb1: {  	_ =	task [dreg:s8], $0x5FFFF  }
0xb2: {  	[dreg:$0x1] =	wrdreg $0xFFFFFFFF  }
0xb3: {  	[dreg:$0x0] =	wrdreg $0x60  }
0xb4: {  	[dreg:$0x2] =	wrdreg s24  }
0xb5: {  	[dreg:$0x3] =	wrdreg s16  }
0xb6: {  	[dreg:$0x4] =	wrdreg s17  }
0xb7: {  	[dreg:$0x5] =	wrdreg $0x68000  }
0xb8: {  	[dreg:$0x6] =	wrdreg $0x9  }
0xb9: {  	_ =	task.clear_ibuf [dreg:s8], $0x7FFFF;
	_ =	strace $0x9000004C  }
0xba: {  	s29 =	simm.s32 $0x9;
	_ =	strace $0x8000004E  }
0xbb: {  	_ =	swait.ge [sflag:s29], $0x1  }
0xbc: {  	[sflag:s29] =	ssyncadd.s32 $0xFFFFFFFF  }
0xbd: {  	_ =	strace $0x9000004E  }
0xbe: {  	_ =	sfence  }
0xbf: {  	s30 =	sld [smem:$0x0];
	_ =	sdelay $0x2  }
0xc0: {  	s31 =	sshll.u32 s1, $0xD;
	s1 =	sshrl.u32 s1, $0x2  }
0xc1: {  	s3 =	sand.u32 $0x4000, s31;
	s1 =	sadd.s32 s1, s30  }
0xc2: {  	s0 =	sor.u32 s3, s0;
	s1 =	sshll.u32 s1, $0x11  }
0xc3: {  	s0 =	sor.u32 s1, s0  }
0xc4: {  	s0 =	sadd.s32 $0x8F2B, s0  }
0xc5: {  	[sflag:s0] =	ssyncadd.remote.s32 $0x1  }
0xc6: {  	_ =	sfence.sel $0xFFFF  }
0xc7: {  	[dreg:$0x0] =	wrdreg $0xFFFFFFFF;
	(pc) =	sbr.abs _section_cstart, $3  }
0xc8: {  	[dreg:$0x1] =	wrdreg $0xFFFFFFFF  }
0xc9: {  	_ =	task.clear_ibuf [dreg:s8], $0x2FFFF;
	_ =	strace $0x9FFFFFFF  }
0xca: {  	(tm) =	ssettm $0x7FFFFFFF  }
0xcb: {  	_ =	shalt  }
tec
execute0_lowered:
.L_overlay_start_1:
0x0: {  	(tag) =	ssettag $0x1  }
0x1: {  	s6 =	rddreg [dreg:$0x0]  }
0x2: {  	s11 =	rddreg [dreg:$0x1]  }
0x3: {  	s12 =	rddreg [dreg:$0x2]  }
0x4: {  	s1 =	rddreg [dreg:$0x3]  }
0x5: {  	s2 =	srdreg.scid;
	s0 =	rddreg [dreg:$0x4];
	s3 =	simm.s32 $0x0  }
0x6: {  	s15 =	simm.s32 $0x1400;
	s16 =	simm.s32 $0x80;
	s17 =	simm.s32 $0x2800  }
0x7: {  	s18 =	simm.s32 $0x0;
	s7 =	sand.u32 $0x1, s2;
	s2 =	stileid.u32  }
0x8: {  	[smem:$0x7FF] =	sst s3;
	s4 =	sadd.s32 $0x55800, s6;
	s8 =	smul.u32 $0x140000, s7  }
0x9: {  	s5 =	sadd.s32 $0x2800, s6;
	s9 =	smul.u32 $0x14000, s2;
	_ =	strace $0x8000004D  }
0xa: {  	s25 =	sshll.u32 s7, $0x4;
	s10 =	smul.u32 $0x50000, s2;
	s26 =	ssub.s32 $0x2, s7  }
0xb: {  	s30 =	sshll.u32 s2, $0x6;
	s28 =	sor.u32 s2, s25;
	s29 =	sshrl.u32 s26, $0x1  }
0xc: {  	s8 =	sadd.s32 s9, s8;
	s10 =	sshrl.u32 s10, $0x2;
	s13 =	smul.u32 $0x2800, s28  }
0xd: {  	s9 =	ssub.s32 s26, s29;
	s8 =	sshrl.u32 s8, $0x3;
	s14 =	sadd.s32 s10, s1  }
0xe: {  	s8 =	sadd.s32 s8, s6;
	s6 =	sor.u32 $0x1C01, s30;
	s31 =	sshrl.u32 s13, $0x3  }
0xf: {  	s7 =	sadd.s32 $0x7D800, s8;
	s8 =	smax.u32 s9, $0x1;
	s13 =	sadd.s32 $0x280, s31  }
0x10: {  	s9 =	sadd.s32 s11, s31;
	s10 =	sadd.s32 s12, s31;
	s11 =	sadd.s32 s11, s13  }
0x11: {  	s12 =	sadd.s32 s12, s13;
	s13 =	sshrl.u32 s14, $0x3;
	s14 =	simm.s32 $0x1  }
.LBB2_1:
0x12: {  	[spmem:s13], [sflag:s6] =	dma.local [hbm:s5], $0x2800  }
0x13: {  	_ =	swait.ge [sflag:s14], $0x2800  }
0x14: {  	[sflag:s14] =	ssyncset.done $0x0  }
0x15: {  	[sflag:s14] =	ssyncadd.s32 $0xFFFFD800  }
0x16: {  	[bflag:$0x0] =	sbarrier.arrive $0xFFFF  }
0x17: {  	[tilespmem:s3], [sflag:$0x1] =	stream.linear.gather [hbm4b:s9+s3], $0x1400, $0x38;
	[tilespmem:$0x1A800] =	vst v63  }
0x18: {  	_ =	swait.ge [sflag:s14], $0x1400  }
0x19: {  	[sflag:s14] =	ssyncset.done $0x0  }
0x1a: {  	[sflag:s14] =	ssyncadd.s32 $0xFFFFEC00  }
0x1b: {  	[tilespmem:s15], [sflag:$0x1] =	stream.linear.gather [hbm4b:s10+s3], $0x1400, $0x38;
	[tilespmem:$0x1A800] =	vst v63  }
0x1c: {  	_ =	swait.ge [sflag:s14], $0x1400  }
0x1d: {  	[sflag:s14] =	ssyncset.done $0x0  }
0x1e: {  	s19 =	simm.s32 $0x0;
	[sflag:s14] =	ssyncadd.s32 $0xFFFFEC00  }
0x1f: {  	[tilespmem:s17], [sflag:$0x1] =	stream.indirect.gather [hbm4b:s4+s16], $0x80, s19, s16, $0xb8;
	[tilespmem:$0x1A800] =	vst v63  }
0x20: {  	_ =	swait.ge [sflag:s14], $0x4000  }
0x21: {  	[sflag:s14] =	ssyncset.done $0x0  }
0x22: {  	s31 =	simm.s32 $0x1400;
	[sflag:s14] =	ssyncadd.s32 $0xFFFFC000  }
0x23: {  	[spmem:s1] =	stream.indirect.scatter.add.f32 [tilespmem:s17], [sflag:$0x1], $0x80, s31, s16, $0xb8;
	[tilespmem:$0x1A800] =	vst v63  }
0x24: {  	_ =	swait.ge [sflag:s14], $0x4000  }
0x25: {  	s20 =	simm.s32 $0x400;
	s19 =	simm.s32 $0x200;
	[sflag:s14] =	ssyncset.done $0x0  }
.LBB2_2:
0x26: {  	s21 =	sshra.s32 s19, $0x2  }
0x27: {  	[sflag:s14] =	ssyncadd.s32 $0xFFFFC000;
	s19 =	smov.u32 s20;
	s22 =	sadd.s32 $0x200, s20  }
0x28: {  	[tilespmem:s17], [sflag:$0x1] =	stream.indirect.gather [hbm4b:s4+s16], $0x80, s21, s16, $0xb8;
	[tilespmem:$0x1A800] =	vst v63  }
0x29: {  	p0 =	sne.s32 s20, $0x4E00;
	_ =	swait.ge [sflag:s14], $0x4000  }
.Ltmp0:
0x2a: {  	[sflag:s14] =	ssyncset.done $0x0;
	(pc) =	sbr.rel @p0 .LBB2_2-.Ltmp0, $4  }
0x2b: {  	s20 =	sadd.s32 $0x1400, s21;
	[sflag:s14] =	ssyncadd.s32 $0xFFFFC000  }
0x2c: {  	[spmem:s1] =	stream.indirect.scatter.add.f32 [tilespmem:s17], [sflag:$0x1], $0x80, s20, s16, $0xb8;
	[tilespmem:$0x1A800] =	vst v63  }
0x2d: {  	_ =	swait.ge [sflag:s14], $0x4000  }
0x2e: {  	s20 =	smov.u32 s22;
	[sflag:s14] =	ssyncset.done $0x0  }
0x2f: {  	s19 =	sshra.s32 s19, $0x2;
	[sflag:s14] =	ssyncadd.s32 $0xFFFFC000  }
0x30: {  	[tilespmem:s17], [sflag:$0x1] =	stream.indirect.gather [hbm4b:s4+s16], $0x80, s19, s16, $0xb8;
	[tilespmem:$0x1A800] =	vst v63  }
0x31: {  	_ =	swait.ge [sflag:s14], $0x4000  }
0x32: {  	[sflag:s14] =	ssyncset.done $0x0  }
0x33: {  	s19 =	sadd.s32 $0x1400, s19;
	[sflag:s14] =	ssyncadd.s32 $0xFFFFC000  }
0x34: {  	[spmem:s1] =	stream.indirect.scatter.add.f32 [tilespmem:s17], [sflag:$0x1], $0x80, s19, s16, $0xb8;
	[tilespmem:$0x1A800] =	vst v63  }
0x35: {  	_ =	swait.ge [sflag:s14], $0x4000  }
0x36: {  	[sflag:s14] =	ssyncset.done $0x0  }
0x37: {  	s29 =	simm.s32 $0x0;
	[sflag:s14] =	ssyncadd.s32 $0xFFFFC000  }
0x38: {  	[tilespmem:s29], [sflag:$0x1] =	stream.linear.gather [hbm4b:s11+s29], $0x1400, $0x38;
	[tilespmem:$0x1A800] =	vst v63  }
0x39: {  	_ =	swait.ge [sflag:s14], $0x1400  }
0x3a: {  	[sflag:s14] =	ssyncset.done $0x0  }
0x3b: {  	[sflag:s14] =	ssyncadd.s32 $0xFFFFEC00  }
0x3c: {  	[tilespmem:s15], [sflag:$0x1] =	stream.linear.gather [hbm4b:s12+s29], $0x1400, $0x38;
	[tilespmem:$0x1A800] =	vst v63  }
0x3d: {  	_ =	swait.ge [sflag:s14], $0x1400  }
0x3e: {  	[sflag:s14] =	ssyncset.done $0x0  }
0x3f: {  	s30 =	simm.s32 $0x0;
	[sflag:s14] =	ssyncadd.s32 $0xFFFFEC00  }
0x40: {  	[tilespmem:s17], [sflag:$0x1] =	stream.indirect.gather [hbm4b:s4+s16], $0x80, s30, s16, $0xb8;
	[tilespmem:$0x1A800] =	vst v63  }
0x41: {  	_ =	swait.ge [sflag:s14], $0x4000  }
0x42: {  	[sflag:s14] =	ssyncset.done $0x0  }
0x43: {  	s31 =	simm.s32 $0x1400;
	[sflag:s14] =	ssyncadd.s32 $0xFFFFC000  }
0x44: {  	[spmem:s1] =	stream.indirect.scatter.add.f32 [tilespmem:s17], [sflag:$0x1], $0x80, s31, s16, $0xb8;
	[tilespmem:$0x1A800] =	vst v63  }
0x45: {  	_ =	swait.ge [sflag:s14], $0x4000  }
0x46: {  	s20 =	simm.s32 $0x400;
	s19 =	simm.s32 $0x200;
	[sflag:s14] =	ssyncset.done $0x0  }
.LBB2_4:
0x47: {  	s21 =	sshra.s32 s19, $0x2  }
0x48: {  	[sflag:s14] =	ssyncadd.s32 $0xFFFFC000;
	s19 =	smov.u32 s20;
	s22 =	sadd.s32 $0x200, s20  }
0x49: {  	[tilespmem:s17], [sflag:$0x1] =	stream.indirect.gather [hbm4b:s4+s16], $0x80, s21, s16, $0xb8;
	[tilespmem:$0x1A800] =	vst v63  }
0x4a: {  	p0 =	sne.s32 s20, $0x4E00;
	_ =	swait.ge [sflag:s14], $0x4000  }
.Ltmp1:
0x4b: {  	[sflag:s14] =	ssyncset.done $0x0;
	(pc) =	sbr.rel @p0 .LBB2_4-.Ltmp1, $4  }
0x4c: {  	s20 =	sadd.s32 $0x1400, s21;
	[sflag:s14] =	ssyncadd.s32 $0xFFFFC000  }
0x4d: {  	[spmem:s1] =	stream.indirect.scatter.add.f32 [tilespmem:s17], [sflag:$0x1], $0x80, s20, s16, $0xb8;
	[tilespmem:$0x1A800] =	vst v63  }
0x4e: {  	_ =	swait.ge [sflag:s14], $0x4000  }
0x4f: {  	s20 =	smov.u32 s22;
	[sflag:s14] =	ssyncset.done $0x0  }
0x50: {  	s19 =	sshra.s32 s19, $0x2;
	[sflag:s14] =	ssyncadd.s32 $0xFFFFC000  }
0x51: {  	[tilespmem:s17], [sflag:$0x1] =	stream.indirect.gather [hbm4b:s4+s16], $0x80, s19, s16, $0xb8;
	[tilespmem:$0x1A800] =	vst v63  }
0x52: {  	_ =	swait.ge [sflag:s14], $0x4000  }
0x53: {  	[sflag:s14] =	ssyncset.done $0x0  }
0x54: {  	s19 =	sadd.s32 $0x1400, s19;
	[sflag:s14] =	ssyncadd.s32 $0xFFFFC000  }
0x55: {  	[spmem:s1] =	stream.indirect.scatter.add.f32 [tilespmem:s17], [sflag:$0x1], $0x80, s19, s16, $0xb8;
	[tilespmem:$0x1A800] =	vst v63  }
0x56: {  	_ =	swait.ge [sflag:s14], $0x4000  }
0x57: {  	s18 =	sadd.s32 $0x1, s18;
	[sflag:s14] =	ssyncset.done $0x0  }
0x58: {  	p0 =	sne.s32 s18, s8;
	[sflag:s14] =	ssyncadd.s32 $0xFFFFC000  }
.Ltmp2:
0x59: {  	[bflag:$0x0] =	sbarrier.arrive $0xFFFF;
	(pc) =	sbr.rel @p0 .LBB2_1-.Ltmp2, $4  }
0x5a: {  	[hbm:s7], [sflag:s6] =	dma.local [spmem:s13], $0x2800  }
0x5b: {  	_ =	swait.ge [sflag:s14], $0x2800  }
0x5c: {  	[sflag:s14] =	ssyncset.done $0x0  }
0x5d: {  	[sflag:s14] =	ssyncadd.s32 $0xFFFFD800  }
0x5e: {  	_ =	sfence.sel $0x180000  }
0x5f: {  	[bflag:$0x0] =	sbarrier.arrive $0xFFFF  }
0x60: {  	p0 =	sne.s32 s2, $0x0;
	_ =	strace $0x9000004D  }
0x61: {  	s0 =	sadd.s32 @!p0 $0x100000, s0;
	[bflag:$0x2] =	sbarrier.arrive $0xFFFF  }
0x62: {  	[sflag:s0] =	ssyncadd.tile.s32 @!p0 $0x1;
	_ =	shalt  }
.Lfunc_end2:
_tile_overlayer_lowered:
.L_overlay_start_2:
0x63: {  	(tag) =	ssettag $0x2  }
0x64: {  	s0 =	rddreg [dreg:$0x0];
	s2 =	stileid.u32  }
0x65: {  	s1 =	rddreg [dreg:$0x1];
	p0 =	sne.s32 s2, $0x0  }
0x66: {  	s3 =	rddreg [dreg:$0x2];
	[bflag:$0x3] =	sbarrier.arrive $0xFFFF;
	s2 =	simm.s32 @!p0 $0x1C01  }
0x67: {  	[timem:s3], [sflag:s2] =	dma.local @!p0 [hbm:s0], s1  }
0x68: {  	s0 =	simm.s32 @!p0 $0x1  }
0x69: {  	_ =	swait.ge @!p0 [sflag:s0], s1  }
0x6a: {  	s1 =	ssub.s32 @!p0 $0x0, s1;
	[sflag:s0] =	ssyncset.done @!p0 $0x0  }
0x6b: {  	[sflag:s0] =	ssyncadd.s32 @!p0 s1  }
0x6c: {  	[bflag:$0x3] =	sbarrier.arrive $0xFFFF  }
0x6d: {  	_ =	shalt  }

// kernel: kernel.8.cloned.1.call-start
scs
__scs_entry_jumppad:
0x0: {  	(pc) =	sbr.rel $0x88, $3  }
0x1: {  	(tag) =	ssettag $0x0;
	lr =	simm.s32 $0x1  }
0x2: {  	[smem:$0x3F99] =	sst lr;
	_ =	strace $0xD0000000  }
0x3: {  	_ = 	snop  }
0x4: {  	_ = 	snop  }
0x5: {  	_ = 	snop  }
0x6: {  	_ = 	snop  }
0x7: {  	_ = 	snop  }
__scs_overlays_trampoline_lowered:
0x8: {  	[smem:$0x3FA8] =	sst s0  }
0x9: {  	[smem:$0x3FA9] =	sst s1  }
0xa: {  	[smem:$0x3FAA] =	sst s2  }
0xb: {  	[smem:$0x3FAB] =	sst s3  }
0xc: {  	[smem:$0x3FAC] =	sst s4  }
0xd: {  	[smem:$0x3FAD] =	sst s5  }
0xe: {  	[smem:$0x3FAE] =	sst s6  }
0xf: {  	[smem:$0x3FAF] =	sst s7  }
0x10: {  	[smem:$0x3FB0] =	sst s8  }
0x11: {  	[smem:$0x3FB1] =	sst s9;
	s0 =	simm.s32 @!p0 $0x0  }
0x12: {  	s1 =	sld [smem:$0x3F97];
	s0 =	simm.s32 @p0 $0x1  }
0x13: {  	[smem:$0x3FB2] =	sst s0;
	s0 =	simm.s32 @!p1 $0x0  }
0x14: {  	s2 =	sld [smem:$0x3F96];
	s0 =	simm.s32 @p1 $0x1  }
0x15: {  	[smem:$0x3FB3] =	sst s0;
	s0 =	simm.s32 @!p2 $0x0  }
0x16: {  	s3 =	sld [smem:$0x3FDB];
	s0 =	simm.s32 @p2 $0x1  }
0x17: {  	s4 =	simm.s32 $0x1BF5;
	[smem:$0x3FB5] =	sst s0  }
0x18: {  	s0 =	sld [smem:$0x3F98];
	_ =	swait.ge [sflag:s4], $0x0  }
0x19: {  	s7 =	sld [smem:$0x3F99]  }
0x1a: {  	s8 =	sadd.s32 $0xFFFFE003, lr  }
0x1b: {  	s9 =	sadd.s32 $0xFFFFFEF7, lr;
	s5 =	simm.s32 $0xFFFFFFFF;
	p2 =	slt.u32 s8, $0xFFFFF086  }
0x1c: {  	p1 =	slt.u32 s9, $0xF7A;
	s5 =	simm.s32 @!p2 $0x0  }
0x1d: {  	s5 =	simm.s32 @p1 $0x1;
	p0 =	seq.s32 s7, s2  }
0x1e: {  	s7 =	smul.u32 @!p0 $0xF7A, s2;
	p2 =	seq.s32 @!p0 s5, $0x0  }
0x1f: {  	s9 =	smul.u32 $0xF7A, s1;
	s8 =	simm.s32 @!p0 $0x1BF5;
	p2 =	por !p2, p0  }
0x20: {  	[sflag:s8] =	ssyncset.s32 @!p0 $0xFFFFF086;
	s6 =	sadd.s32 @!p0 s3, s7;
	s7 =	simm.s32 @!p0 $0x108  }
0x21: {  	s3 =	sadd.s32 s3, s9;
	s6 =	sadd.s32 @!p0 $0x88, s6;
	s7 =	simm.s32 @p2 $0x1082  }
0x22: {  	[simem:s7], [sflag:s8] =	dma.local @!p0 [hbm:s6], $0xF7A  }
0x23: {  	s9 =	sor.u32 $0xD0000000, s2;
	s6 =	simm.s32 $0x108;
	_ =	swait.ge @!p0 [sflag:s8], $0x0  }
0x24: {  	s3 =	sadd.s32 $0x88, s3;
	s6 =	simm.s32 @!p1 $0x1082;
	[sflag:s4] =	ssyncset.s32 $0xFFFFF086  }
0x25: {  	[simem:s6], [sflag:s4] =	dma.local [hbm:s3], $0xF7A  }
0x26: {  	[smem:$0x3F99] =	sst s1;
	(tag) =	ssettag s2;
	_ =	strace s9  }
0x27: {  	s1 =	sld [smem:$0x3FA9]  }
0x28: {  	s2 =	sld [smem:$0x3FAA]  }
0x29: {  	s4 =	sld [smem:$0x3FAC]  }
0x2a: {  	p0 =	seq.s32 s5, $0x0;
	s5 =	sld [smem:$0x3FAD]  }
0x2b: {  	s6 =	sld [smem:$0x3FAE]  }
0x2c: {  	s7 =	sld [smem:$0x3FAF]  }
0x2d: {  	s3 =	simm.s32 $0x108;
	s8 =	sld [smem:$0x3FB0]  }
0x2e: {  	s3 =	simm.s32 @!p0 $0x1082;
	s9 =	sld [smem:$0x3FB1]  }
0x2f: {  	lr =	sadd.s32 s0, s3;
	s0 =	sld [smem:$0x3FA8]  }
0x30: {  	s3 =	sld [smem:$0x3FAB]  }
0x31: {  	[smem:$0x3FB4] =	sst s10  }
0x32: {  	s10 =	sld [smem:$0x3FB2];
	_ =	sdelay $0x3  }
0x33: {  	p0 =	seq.s32 s10, $0x1;
	s10 =	sld [smem:$0x3FB4];
	_ =	sdelay $0x3  }
0x34: {  	[smem:$0x3FB4] =	sst s10  }
0x35: {  	s10 =	sld [smem:$0x3FB3];
	_ =	sdelay $0x3  }
0x36: {  	p1 =	seq.s32 s10, $0x1;
	s10 =	sld [smem:$0x3FB4];
	_ =	sdelay $0x3  }
0x37: {  	[smem:$0x3FB4] =	sst s10  }
0x38: {  	s10 =	sld [smem:$0x3FB5]  }
0x39: {  	_ = 	snop;
	(pc) =	sbr.ind lr, $3  }
0x3a: {  	_ = 	snop  }
0x3b: {  	_ = 	snop  }
0x3c: {  	p2 =	seq.s32 s10, $0x1;
	s10 =	sld [smem:$0x3FB4]  }
0x3d: {  	_ =	shalt  }
0x3e: {  	_ =	shalt  }
0x3f: {  	_ =	shalt  }
0x40: {  	_ =	shalt  }
0x41: {  	_ =	shalt  }
0x42: {  	_ =	shalt  }
0x43: {  	_ =	shalt  }
0x44: {  	_ =	shalt  }
0x45: {  	_ =	shalt  }
0x46: {  	_ =	shalt  }
0x47: {  	_ =	shalt  }
0x48: {  	_ =	shalt  }
0x49: {  	_ =	shalt  }
0x4a: {  	_ =	shalt  }
0x4b: {  	_ =	shalt  }
0x4c: {  	_ =	shalt  }
0x4d: {  	_ =	shalt  }
0x4e: {  	_ =	shalt  }
0x4f: {  	_ =	shalt  }
0x50: {  	_ =	shalt  }
0x51: {  	_ =	shalt  }
0x52: {  	_ =	shalt  }
0x53: {  	_ =	shalt  }
0x54: {  	_ =	shalt  }
0x55: {  	_ =	shalt  }
0x56: {  	_ =	shalt  }
0x57: {  	_ =	shalt  }
0x58: {  	_ =	shalt  }
0x59: {  	_ =	shalt  }
0x5a: {  	_ =	shalt  }
0x5b: {  	_ =	shalt  }
0x5c: {  	_ =	shalt  }
0x5d: {  	_ =	shalt  }
0x5e: {  	_ =	shalt  }
0x5f: {  	_ =	shalt  }
0x60: {  	_ =	shalt  }
0x61: {  	_ =	shalt  }
0x62: {  	_ =	shalt  }
0x63: {  	_ =	shalt  }
0x64: {  	_ =	shalt  }
0x65: {  	_ =	shalt  }
0x66: {  	_ =	shalt  }
0x67: {  	_ =	shalt  }
0x68: {  	_ =	shalt  }
0x69: {  	_ =	shalt  }
0x6a: {  	_ =	shalt  }
0x6b: {  	_ =	shalt  }
0x6c: {  	_ =	shalt  }
0x6d: {  	_ =	shalt  }
0x6e: {  	_ =	shalt  }
0x6f: {  	_ =	shalt  }
0x70: {  	_ =	shalt  }
0x71: {  	_ =	shalt  }
0x72: {  	_ =	shalt  }
0x73: {  	_ =	shalt  }
0x74: {  	_ =	shalt  }
0x75: {  	_ =	shalt  }
0x76: {  	_ =	shalt  }
0x77: {  	_ =	shalt  }
0x78: {  	_ =	shalt  }
0x79: {  	_ =	shalt  }
0x7a: {  	_ =	shalt  }
0x7b: {  	_ =	shalt  }
0x7c: {  	_ =	shalt  }
0x7d: {  	_ =	shalt  }
0x7e: {  	_ =	shalt  }
0x7f: {  	_ =	shalt  }
0x80: {  	_ =	shalt  }
0x81: {  	_ =	shalt  }
0x82: {  	_ =	shalt  }
0x83: {  	_ =	shalt  }
0x84: {  	_ =	shalt  }
0x85: {  	_ =	shalt  }
0x86: {  	_ =	shalt  }
0x87: {  	_ =	shalt  }
.Lfunc_end0:
.L_simem_size_0:
called_computation_lowered:
.L_overlay_start_0:
0x88: {  	s2 =	sld [smem:$0x3FD9]  }
0x89: {  	s3 =	sld [smem:$0x3FFE];
	_ =	sdelay $0x1  }
0x8a: {  	s1 =	srdreg.scid  }
0x8b: {  	s0 =	sand.u32 $0x1, s1  }
0x8c: {  	s14 =	sshll.u32 s0, $0xA;
	s2 =	sadd.s32 s3, s2  }
0x8d: {  	s2 =	sadd.s32 s2, s14  }
0x8e: {  	[smem:$0x3FC0] =	sst s2  }
0x8f: {  	_ = 	snop  }
0x90: {  	s2 =	sld [smem:$0x3FD0];
	_ =	sdelay $0x2  }
0x91: {  	s15 =	simm.s32 $0xA;
	s4 =	simm.s32 $0x10  }
0x92: {  	[smem:s4], [sflag:s15] =	dma.local [hbm:s2], $0x1  }
0x93: {  	_ =	swait.eq [sflag:s15], $0x1  }
0x94: {  	[sflag:s15] =	ssyncset.done $0x0  }
0x95: {  	[sflag:s15] =	ssyncadd.s32 $0xFFFFFFFF  }
0x96: {  	s16 =	sld [smem:$0x11];
	(tm) =	ssettm $0x1  }
0x97: {  	s17 =	sld [smem:$0x3FFB];
	_ =	sdelay $0x3  }
0x98: {  	_ =	strace s17  }
0x99: {  	s3 =	sld [smem:$0x3FFC];
	_ =	sdelay $0x3  }
0x9a: {  	_ =	strace s3  }
0x9b: {  	s3 =	sld [smem:$0x3FFD];
	_ =	sdelay $0x3  }
0x9c: {  	_ =	strace s3  }
0x9d: {  	_ =	strace $0x8FFFFFFF  }
0x9e: {  	s18 =	sld [smem:$0x3FDB];
	_ =	sdelay $0x1  }
0x9f: {  	s19 =	simm.s32 $_scs_section_size  }
0xa0: {  	s5 =	simm.s32 $_size__tile_overlayer_lowered;
	s6 =	simm.s32 $_tile_overlayer_lowered  }
0xa1: {  	s22 =	simm.s32 $0x1BFF;
	s21 =	sshll.u32 s6, $0x1;
	s3 =	sadd.s32 s19, s18  }
0xa2: {  	s7 =	simm.s32 $0x0;
	s20 =	sshll.u32 s5, $0x1;
	s5 =	sadd.s32 s21, s3  }
0xa3: {  	[timem:s7], [sflag:s22] =	dma.local [hbm:s5], s20  }
0xa4: {  	_ =	swait.ge [sflag:s22], s20  }
0xa5: {  	s4 =	ssub.s32 $0x0, s20;
	[sflag:s22] =	ssyncset.done $0x0  }
0xa6: {  	[sflag:s22] =	ssyncadd.s32 s4;
	_ =	sdelay $0x1  }
0xa7: {  	s23 =	simm.s32 $0x1B8B  }
0xa8: {  	_ =	swait.ge [sflag:s23], $0x1  }
0xa9: {  	[sflag:s23] =	ssyncset.done $0x0  }
0xaa: {  	s25 =	simm.s32 $0x1B8E;
	s24 =	sld [smem:$0x3FFE];
	[sflag:s23] =	ssyncadd.s32 $0xFFFFFFFF  }
0xab: {  	s26 =	simm.s32 $execute0_lowered;
	[smem:$0x3FD2] =	sst s25  }
0xac: {  	s5 =	sshll.u32 s26, $0x1;
	_ =	strace $0x80000046;
	[dreg:$0x1] =	wrdreg $0xFFFFFFFF  }
0xad: {  	s28 =	simm.s32 $_size_execute0_lowered;
	s3 =	sadd.s32 s3, s5;
	[dreg:$0x0] =	wrdreg $0x0  }
0xae: {  	s5 =	sshll.u32 s28, $0x1;
	[dreg:$0x2] =	wrdreg s3  }
0xaf: {  	[dreg:$0x3] =	wrdreg s5  }
0xb0: {  	[dreg:$0x4] =	wrdreg $0xC0  }
0xb1: {  	_ =	task [dreg:s7], $0x5FFFF  }
0xb2: {  	[dreg:$0x1] =	wrdreg $0xFFFFFFFF  }
0xb3: {  	[dreg:$0x0] =	wrdreg $0x60  }
0xb4: {  	[dreg:$0x2] =	wrdreg s16  }
0xb5: {  	[dreg:$0x3] =	wrdreg s24  }
0xb6: {  	[dreg:$0x4] =	wrdreg $0x68000  }
0xb7: {  	[dreg:$0x5] =	wrdreg $0x9  }
0xb8: {  	_ =	task.clear_ibuf [dreg:s7], $0x6FFFF;
	_ =	strace $0x90000046  }
0xb9: {  	s29 =	simm.s32 $0x9;
	_ =	strace $0x80000048  }
0xba: {  	_ =	swait.ge [sflag:s29], $0x1  }
0xbb: {  	[sflag:s29] =	ssyncadd.s32 $0xFFFFFFFF  }
0xbc: {  	_ =	strace $0x90000048  }
0xbd: {  	_ =	sfence  }
0xbe: {  	s30 =	sld [smem:$0x0];
	_ =	sdelay $0x2  }
0xbf: {  	s31 =	sshll.u32 s1, $0xD;
	s1 =	sshrl.u32 s1, $0x2  }
0xc0: {  	s3 =	sand.u32 $0x4000, s31;
	s1 =	sadd.s32 s1, s30  }
0xc1: {  	s0 =	sor.u32 s3, s0;
	s1 =	sshll.u32 s1, $0x11  }
0xc2: {  	s0 =	sor.u32 s1, s0  }
0xc3: {  	s0 =	sadd.s32 $0x8F2B, s0  }
0xc4: {  	[sflag:s0] =	ssyncadd.remote.s32 $0x1  }
0xc5: {  	_ =	sfence.sel $0xFFFF  }
0xc6: {  	[dreg:$0x0] =	wrdreg $0xFFFFFFFF;
	(pc) =	sbr.abs _section_cstart, $3  }
0xc7: {  	[dreg:$0x1] =	wrdreg $0xFFFFFFFF  }
0xc8: {  	_ =	task.clear_ibuf [dreg:s7], $0x2FFFF;
	_ =	strace $0x9FFFFFFF  }
0xc9: {  	(tm) =	ssettm $0x7FFFFFFF  }
tec
execute0_lowered:
.L_overlay_start_1:
0x0: {  	(tag) =	ssettag $0x1  }
0x1: {  	s7 =	rddreg [dreg:$0x0]  }
0x2: {  	s6 =	rddreg [dreg:$0x1]  }
0x3: {  	s1 =	rddreg [dreg:$0x2]  }
0x4: {  	s2 =	srdreg.scid;
	s0 =	rddreg [dreg:$0x3];
	s3 =	simm.s32 $0x0  }
0x5: {  	s12 =	simm.s32 $0x2800;
	s13 =	simm.s32 $0x80;
	s8 =	sand.u32 $0x1, s2  }
0x6: {  	s14 =	simm.s32 $0x0;
	s2 =	stileid.u32;
	s9 =	smul.u32 $0x140000, s8  }
0x7: {  	[smem:$0x7FF] =	sst s3;
	s4 =	sadd.s32 $0x5000, s6;
	s10 =	smul.u32 $0x14000, s2  }
0x8: {  	s5 =	sadd.s32 $0x2800, s6;
	_ =	strace $0x80000047;
	s26 =	smul.u32 $0x50000, s2  }
0x9: {  	s11 =	sshll.u32 s8, $0x4;
	s28 =	ssub.s32 $0x2, s8;
	s31 =	sshll.u32 s2, $0x6  }
0xa: {  	s29 =	sor.u32 s2, s11;
	s30 =	sshrl.u32 s28, $0x1;
	s9 =	sadd.s32 s10, s9  }
0xb: {  	s10 =	sshrl.u32 s26, $0x2;
	s8 =	smul.u32 $0x500, s29;
	s9 =	sshrl.u32 s9, $0x3  }
0xc: {  	s11 =	ssub.s32 s28, s30;
	s10 =	sadd.s32 s10, s1;
	s9 =	sadd.s32 s9, s6  }
0xd: {  	s6 =	sor.u32 $0x1C01, s31;
	s7 =	sadd.s32 s7, s8;
	s10 =	sshrl.u32 s10, $0x3  }
0xe: {  	s8 =	sadd.s32 $0x5800, s9;
	s9 =	smax.u32 s11, $0x1;
	s11 =	simm.s32 $0x1  }
.LBB2_1:
0xf: {  	[spmem:s10], [sflag:s6] =	dma.local [hbm:s5], $0x2800  }
0x10: {  	_ =	swait.ge [sflag:s11], $0x2800  }
0x11: {  	[sflag:s11] =	ssyncset.done $0x0  }
0x12: {  	[sflag:s11] =	ssyncadd.s32 $0xFFFFD800  }
0x13: {  	[tilespmem:s3], [sflag:$0x1] =	stream.linear.gather [hbm4b:s7+s3], $0x2800, $0x38;
	[tilespmem:$0x1A800] =	vst v63  }
0x14: {  	_ =	swait.ge [sflag:s11], $0x2800  }
0x15: {  	[sflag:s11] =	ssyncset.done $0x0  }
0x16: {  	[sflag:s11] =	ssyncadd.s32 $0xFFFFD800  }
0x17: {  	[tilespmem:s12], [sflag:$0x1] =	stream.linear.gather [hbm4b:s4+s3], $0x4000, $0x38;
	[tilespmem:$0x1A800] =	vst v63  }
0x18: {  	_ =	swait.ge [sflag:s11], $0x4000  }
0x19: {  	[sflag:s11] =	ssyncset.done $0x0  }
0x1a: {  	[sflag:s11] =	ssyncadd.s32 $0xFFFFC000  }
0x1b: {  	s15 =	simm.s32 $0x0;
	[bflag:$0x0] =	sbarrier.arrive $0xFFFF  }
0x1c: {  	[spmem:s1] =	stream.indirect.scatter.add.f32 [tilespmem:s12], [sflag:$0x1], $0x80, s15, s13, $0xb8;
	[tilespmem:$0x1A800] =	vst v63  }
0x1d: {  	_ =	swait.ge [sflag:s11], $0x4000  }
0x1e: {  	s15 =	simm.s32 $0x200;
	[sflag:s11] =	ssyncset.done $0x0  }
.LBB2_2:
0x1f: {  	s16 =	sshra.s32 s15, $0x2;
	[sflag:s11] =	ssyncadd.s32 $0xFFFFC000;
	p0 =	sne.s32 s15, $0x9E00  }
0x20: {  	[spmem:s1] =	stream.indirect.scatter.add.f32 [tilespmem:s12], [sflag:$0x1], $0x80, s16, s13, $0xb8;
	[tilespmem:$0x1A800] =	vst v63  }
.Ltmp0:
0x21: {  	_ = 	snop;
	(pc) =	sbr.rel @p0 .LBB2_2-.Ltmp0, $4  }
0x22: {  	_ = 	snop  }
0x23: {  	s15 =	sadd.s32 $0x200, s15  }
0x24: {  	_ =	swait.ge [sflag:s11], $0x4000  }
0x25: {  	[sflag:s11] =	ssyncset.done $0x0  }
0x26: {  	s14 =	sadd.s32 $0x1, s14  }
0x27: {  	[sflag:s11] =	ssyncadd.s32 $0xFFFFC000;
	p0 =	sne.s32 s14, s9  }
.Ltmp1:
0x28: {  	[bflag:$0x0] =	sbarrier.arrive $0xFFFF;
	(pc) =	sbr.rel @p0 .LBB2_1-.Ltmp1, $4  }
0x29: {  	[hbm:s8], [sflag:s6] =	dma.local [spmem:s10], $0x2800  }
0x2a: {  	_ =	swait.ge [sflag:s11], $0x2800  }
0x2b: {  	[sflag:s11] =	ssyncset.done $0x0  }
0x2c: {  	[sflag:s11] =	ssyncadd.s32 $0xFFFFD800  }
0x2d: {  	_ =	sfence.sel $0x180000  }
0x2e: {  	[bflag:$0x0] =	sbarrier.arrive $0xFFFF  }
0x2f: {  	p0 =	sne.s32 s2, $0x0;
	_ =	strace $0x90000047  }
0x30: {  	s0 =	sadd.s32 @!p0 $0x100000, s0;
	[bflag:$0x2] =	sbarrier.arrive $0xFFFF  }
0x31: {  	[sflag:s0] =	ssyncadd.tile.s32 @!p0 $0x1;
	_ =	shalt  }
.Lfunc_end2:
_tile_overlayer_lowered:
.L_overlay_start_2:
0x32: {  	(tag) =	ssettag $0x2  }
0x33: {  	s0 =	rddreg [dreg:$0x0];
	s2 =	stileid.u32  }
0x34: {  	s1 =	rddreg [dreg:$0x1];
	p0 =	sne.s32 s2, $0x0  }
0x35: {  	s3 =	rddreg [dreg:$0x2];
	[bflag:$0x3] =	sbarrier.arrive $0xFFFF;
	s2 =	simm.s32 @!p0 $0x1C01  }
0x36: {  	[timem:s3], [sflag:s2] =	dma.local @!p0 [hbm:s0], s1  }
0x37: {  	s0 =	simm.s32 @!p0 $0x1  }
0x38: {  	_ =	swait.ge @!p0 [sflag:s0], s1  }
0x39: {  	s1 =	ssub.s32 @!p0 $0x0, s1;
	[sflag:s0] =	ssyncset.done @!p0 $0x0  }
0x3a: {  	[sflag:s0] =	ssyncadd.s32 @!p0 s1  }
0x3b: {  	[bflag:$0x3] =	sbarrier.arrive $0xFFFF  }
0x3c: {  	_ =	shalt  }

</sc_bundles>
